<compile_context>
chip_gen: v7x
topology: tpu7x:2x2x1
jax: 0.10.2.dev20260603
libtpu: 0.0.44.dev20260713+nightly
codegen_flags: <defaults>
</compile_context>

<pallas_src>
import functools

import jax
import jax.numpy as jnp
from jax import lax
from jax.experimental import pallas as pl
from jax.experimental.pallas import tpu as pltpu
from jax.experimental.pallas import tpu_sc as plsc


def _tr_body(E, BLKV, in_ref, out_ref):
    sub = BLKV // 4
    x = in_ref[0]
    xs = jnp.concatenate([x[:, a * sub:(a + 1) * sub] for a in range(4)],
                         axis=0)
    out_ref[0] = jax.lax.dot_general(xs, jnp.eye(128, dtype=jnp.float32),
                                     (((0,), (0,)), ((), ())),
                                     preferred_element_type=jnp.float32)


def _make_linearize(N_CAT, V, E, BLKV):
    n_j = (V + BLKV - 1) // BLKV
    return pl.pallas_call(
        functools.partial(_tr_body, E, BLKV),
        grid=(N_CAT, n_j),
        in_specs=[pl.BlockSpec((1, E, BLKV), lambda c, j: (c, 0, j))],
        out_specs=pl.BlockSpec((1, BLKV // 4, 128), lambda c, j: (c, j, 0)),
        out_shape=jax.ShapeDtypeStruct((N_CAT, n_j * BLKV // 4, 128),
                                       jnp.float32),
    )


def _make_sc_gather(R, E, CH):
    info = plsc.get_sparse_core_info()
    NC, NS = info.num_cores, info.num_subcores
    NW = NC * NS
    rows_per_w = R // NW
    n_ch = rows_per_w // CH

    mesh = plsc.VectorSubcoreMesh(core_axis_name="c", subcore_axis_name="s")

    @functools.partial(
        pl.kernel,
        mesh=mesh,
        compiler_params=pltpu.CompilerParams(use_tc_tiling_on_sc=False),
        out_type=jax.ShapeDtypeStruct((R, E), jnp.float32),
        scratch_types=[
            pltpu.VMEM((rows_per_w,), jnp.int32),
            pltpu.VMEM((CH, E), jnp.float32),
            pltpu.VMEM((CH, E), jnp.float32),
            pltpu.SemaphoreType.DMA,
            pltpu.SemaphoreType.DMA,
        ],
    )
    def sc_gather(tab_hbm, idx_hbm, out_hbm, idx_v, buf0, buf1, sem0, sem1):
        wid = lax.axis_index("s") * NC + lax.axis_index("c")
        base = wid * rows_per_w
        pltpu.sync_copy(idx_hbm.at[pl.ds(base, rows_per_w)], idx_v)
        bufs = (buf0, buf1)
        sems = (sem0, sem1)
        cps = [None, None]
        for k in range(n_ch):
            cps[k % 2] = pltpu.async_copy(
                tab_hbm.at[idx_v.at[pl.ds(k * CH, CH)]], bufs[k % 2], sems[k % 2])
            if k > 0:
                cps[(k - 1) % 2].wait()
                pltpu.sync_copy(bufs[(k - 1) % 2],
                                out_hbm.at[pl.ds(base + (k - 1) * CH, CH)])
        cps[(n_ch - 1) % 2].wait()
        pltpu.sync_copy(bufs[(n_ch - 1) % 2],
                        out_hbm.at[pl.ds(base + (n_ch - 1) * CH, CH)])

    return sc_gather


def _bn_body(B, num_ref, emb_ref, gbn_ref, gbe_ref, out_ref,
             snum, semb, ssnum, ssemb):
    p = pl.program_id(0)
    i = pl.program_id(1)

    @pl.when((p == 0) & (i == 0))
    def _():
        snum[...] = jnp.zeros_like(snum)
        semb[...] = jnp.zeros_like(semb)

    @pl.when(p == 0)
    def _():
        num = num_ref[...]
        emb = emb_ref[...]
        snum[0:1, :] += jnp.sum(num, axis=0, keepdims=True)
        snum[1:2, :] += jnp.sum(num * num, axis=0, keepdims=True)
        semb[0:1, :] += jnp.sum(emb, axis=0, keepdims=True)
        semb[1:2, :] += jnp.sum(emb * emb, axis=0, keepdims=True)

    @pl.when((p == 1) & (i == 0))
    def _():
        for s, gb, ss in ((snum, gbn_ref, ssnum), (semb, gbe_ref, ssemb)):
            mean = s[0:1, :] / B
            var = s[1:2, :] / B - mean * mean
            scale = gb[0:1, :] * lax.rsqrt(var + 1e-5)
            ss[0:1, :] = scale
            ss[1:2, :] = gb[1:2, :] - mean * scale

    @pl.when(p == 1)
    def _():
        n = num_ref[...] * ssnum[0:1, :] + ssnum[1:2, :]
        e = emb_ref[...] * ssemb[0:1, :] + ssemb[1:2, :]
        out_ref[...] = jnp.concatenate([n, e], axis=1)


def _make_bn(B, N_NUM, F_EMB, BLK):
    nb = B // BLK
    return pl.pallas_call(
        functools.partial(_bn_body, B),
        grid=(2, nb),
        in_specs=[
            pl.BlockSpec((BLK, N_NUM), lambda p, i: (i, 0)),
            pl.BlockSpec((BLK, F_EMB), lambda p, i: (i, 0)),
            pl.BlockSpec((2, N_NUM), lambda p, i: (0, 0)),
            pl.BlockSpec((2, F_EMB), lambda p, i: (0, 0)),
        ],
        out_specs=pl.BlockSpec((BLK, N_NUM + F_EMB),
                               lambda p, i: (jnp.where(p == 0, 0, i), 0)),
        out_shape=jax.ShapeDtypeStruct((B, N_NUM + F_EMB), jnp.float32),
        scratch_shapes=[
            pltpu.VMEM((2, N_NUM), jnp.float32),
            pltpu.VMEM((2, F_EMB), jnp.float32),
            pltpu.VMEM((2, N_NUM), jnp.float32),
            pltpu.VMEM((2, F_EMB), jnp.float32),
        ],
    )


def kernel(numeric, cat_idx, tables, gamma, beta):
    B, N_NUM = numeric.shape
    N_CAT, V, E = tables.shape
    F_EMB = N_CAT * E
    R = B * N_CAT
    CH = 1024

    tt = jnp.transpose(tables, (0, 2, 1))
    BLKV = 8192
    SUB = BLKV // 4
    n_j = (V + BLKV - 1) // BLKV
    VPAD = n_j * SUB
    lin = _make_linearize(N_CAT, V, E, BLKV)(tt)
    tab_flat = lin.reshape(N_CAT * VPAD * 4, E)
    del tables
    v = cat_idx.astype(jnp.int32)
    c = jnp.arange(N_CAT, dtype=jnp.int32)[None, :]
    rem = v % BLKV
    rho = ((c * VPAD + (v // BLKV) * SUB + rem % SUB) * 4) + rem // SUB
    flat_idx = rho.reshape(R)

    emb_rows = _make_sc_gather(R, E, CH)(tab_flat, flat_idx)
    emb = emb_rows.reshape(B, F_EMB)

    gb = jnp.stack([gamma, beta])
    return _make_bn(B, N_NUM, F_EMB, 1024)(
        numeric, emb, gb[:, :N_NUM], gb[:, N_NUM:])

# --- scband reference (transcript-rebuilt; emitter-appended) ---
"""Pipeline reference for scband-dense-feature-layer-57878979281014 (READ-ONLY COPY).

The authoritative reference and input builder live on the scoring server;
editing this copy changes nothing except your own understanding.
"""

import jax, jax.numpy as jnp
import numpy as np

B = 16384
N_CAT = 26
N_NUM = 13
VOCAB = 100000
EMB = 32
FEAT = N_NUM + N_CAT * EMB  # 845


def setup_inputs(seed: int = 0) -> dict:
    key = jax.random.key(seed)
    k1, k2, k3 = jax.random.split(key, 3)
    numeric = jax.random.normal(k1, (B, N_NUM), dtype=jnp.float32)
    cat_idx = jax.random.randint(k2, (B, N_CAT), 0, VOCAB, dtype=jnp.int64)
    # one embedding table per categorical column, stacked: [N_CAT, VOCAB, EMB]
    tables = jax.random.normal(k3, (N_CAT, VOCAB, EMB), dtype=jnp.float32)
    gamma = jnp.ones((FEAT,), dtype=jnp.float32)
    beta = jnp.zeros((FEAT,), dtype=jnp.float32)
    return {"numeric": numeric, "cat_idx": cat_idx, "tables": tables, "gamma": gamma, "beta": beta}


def reference(numeric, cat_idx, tables, gamma, beta):
    # Per-column embedding gather: tables[col, idx] -> [B, N_CAT, EMB]
    col_ids = jnp.arange(N_CAT)[None, :]  # [1, N_CAT]
    embs = tables[col_ids, cat_idx]       # advanced indexing gather -> [B, N_CAT, EMB]
    emb_output = embs.reshape(-1, N_CAT * EMB)
    concat_input = jnp.concatenate([numeric, emb_output], axis=1)  # [B, FEAT]
    # BatchNorm1d in training mode: batch statistics, eps=1e-5
    mean = jnp.mean(concat_input, axis=0)
    var = jnp.var(concat_input, axis=0)
    out = (concat_input - mean) / jnp.sqrt(var + 1e-5) * gamma + beta
    return out

if __name__ == "__main__":
    import jax
    _d = setup_inputs()
    print(jax.jit(kernel)(*tuple(_d.values())))

</pallas_src>

<mosaic_0001>
#map = affine_map<(d0, d1) -> (0, 0)>
#map1 = affine_map<(d0, d1) -> (0)>
module attributes {stable_mosaic.version = 14 : i64} {
  func.func @sc_gather(%arg0: i32, %arg1: i32, %arg2: memref<2768896x32xf32, #tpu.memory_space<hbm>>, %arg3: memref<425984xi32, #tpu.memory_space<hbm>>, %arg4: memref<425984x32xf32, #tpu.memory_space<hbm>>, %arg5: memref<13312xi32, #tpu.memory_space<vmem>>, %arg6: memref<1024x32xf32, #tpu.memory_space<vmem>>, %arg7: memref<1024x32xf32, #tpu.memory_space<vmem>>, %arg8: memref<!tpu.dma_semaphore, #tpu.memory_space<semaphore_mem>>, %arg9: memref<!tpu.dma_semaphore, #tpu.memory_space<semaphore_mem>>) attributes {dimension_semantics = [#tpu.dimension_semantics<core_parallel>, #tpu.dimension_semantics<subcore_parallel>], iteration_bounds = array<i64: 2, 16>, scalar_prefetch = 0 : i64, scratch_operands = 5 : i64, tpu.core_type = #tpu.core_type<sc_vector_subcore>, window_params = [{transform_indices = #map}, {transform_indices = #map1}, {transform_indices = #map}]} {
    %mul3A = arith.constant 2 : i32
    %mul3A_0 = arith.muli %arg1, %mul3A : i32
    %add3A = arith.addi %mul3A_0, %arg0 : i32
    %mul3A_1 = arith.constant 13312 : i32
    %mul3A_2 = arith.muli %add3A, %mul3A_1 : i32
    "tpu.region"() ({
      %run_scoped3A = tpu.sem_alloc : memref<!tpu.dma_semaphore, #tpu.memory_space<semaphore_mem>>
      %dma_start3A_157 = tpu.memref_slice %arg3[%mul3A_2] : memref<425984xi32, #tpu.memory_space<hbm>> -> memref<13312xi32, #tpu.memory_space<hbm>>
      %dma_start3A_158 = tpu.memref_slice %arg3[%mul3A_2] : memref<425984xi32, #tpu.memory_space<hbm>> -> memref<13312xi32, #tpu.memory_space<hbm>>
      tpu.enqueue_dma source(%dma_start3A_158 : memref<13312xi32, #tpu.memory_space<hbm>>) target(%arg5 : memref<13312xi32, #tpu.memory_space<vmem>>) target_semaphore(%run_scoped3A : memref<!tpu.dma_semaphore, #tpu.memory_space<semaphore_mem>>)
      %dma_wait3A_159 = tpu.memref_slice %arg3[%mul3A_2] : memref<425984xi32, #tpu.memory_space<hbm>> -> memref<13312xi32, #tpu.memory_space<hbm>>
      %dma_wait3A_160 = tpu.memref_slice %arg3[%mul3A_2] : memref<425984xi32, #tpu.memory_space<hbm>> -> memref<13312xi32, #tpu.memory_space<hbm>>
      tpu.wait_dma2 semaphore(%run_scoped3A : memref<!tpu.dma_semaphore, #tpu.memory_space<semaphore_mem>>) src(%dma_wait3A_160 : memref<13312xi32, #tpu.memory_space<hbm>>) dst(%arg5 : memref<13312xi32, #tpu.memory_space<vmem>>)
      tpu.yield
    }) : () -> ()
    %dma_start3A = arith.constant 0 : i32
    %dma_start3A_3 = tpu.memref_slice %arg5[%dma_start3A] : memref<13312xi32, #tpu.memory_space<vmem>> -> memref<1024xi32, #tpu.memory_space<vmem>>
    %dma_start3A_4 = arith.constant 0 : i32
    %dma_start3A_5 = arith.constant 0 : i32
    %dma_start3A_6 = tpu.memref_slice %arg2[%dma_start3A_4, %dma_start3A_5] : memref<2768896x32xf32, #tpu.memory_space<hbm>> -> memref<2768896x32xf32, #tpu.memory_space<hbm>>
    tpu.enqueue_indirect_dma source(%dma_start3A_6 : memref<2768896x32xf32, #tpu.memory_space<hbm>>) target(%arg6 : memref<1024x32xf32, #tpu.memory_space<vmem>>) offsets(%dma_start3A_3 : memref<1024xi32, #tpu.memory_space<vmem>>) semaphore(%arg8 : memref<!tpu.dma_semaphore, #tpu.memory_space<semaphore_mem>>)
    %dma_start3A_7 = arith.constant 1024 : i32
    %dma_start3A_8 = tpu.memref_slice %arg5[%dma_start3A_7] : memref<13312xi32, #tpu.memory_space<vmem>> -> memref<1024xi32, #tpu.memory_space<vmem>>
    %dma_start3A_9 = arith.constant 0 : i32
    %dma_start3A_10 = arith.constant 0 : i32
    %dma_start3A_11 = tpu.memref_slice %arg2[%dma_start3A_9, %dma_start3A_10] : memref<2768896x32xf32, #tpu.memory_space<hbm>> -> memref<2768896x32xf32, #tpu.memory_space<hbm>>
    tpu.enqueue_indirect_dma source(%dma_start3A_11 : memref<2768896x32xf32, #tpu.memory_space<hbm>>) target(%arg7 : memref<1024x32xf32, #tpu.memory_space<vmem>>) offsets(%dma_start3A_8 : memref<1024xi32, #tpu.memory_space<vmem>>) semaphore(%arg9 : memref<!tpu.dma_semaphore, #tpu.memory_space<semaphore_mem>>)
    %dma_wait3A = arith.constant 0 : i32
    %dma_wait3A_12 = tpu.memref_slice %arg5[%dma_wait3A] : memref<13312xi32, #tpu.memory_space<vmem>> -> memref<1024xi32, #tpu.memory_space<vmem>>
    %dma_wait3A_13 = arith.constant 0 : i32
    %dma_wait3A_14 = arith.constant 0 : i32
    %dma_wait3A_15 = tpu.memref_slice %arg2[%dma_wait3A_13, %dma_wait3A_14] : memref<2768896x32xf32, #tpu.memory_space<hbm>> -> memref<2768896x32xf32, #tpu.memory_space<hbm>>
    tpu.wait_indirect_dma semaphore(%arg8 : memref<!tpu.dma_semaphore, #tpu.memory_space<semaphore_mem>>) src(%dma_wait3A_15 : memref<2768896x32xf32, #tpu.memory_space<hbm>>) dst(%arg6 : memref<1024x32xf32, #tpu.memory_space<vmem>>)
    %add3A_16 = arith.constant 0 : i32
    %add3A_17 = arith.addi %mul3A_2, %add3A_16 : i32
    "tpu.region"() ({
      %run_scoped3A = tpu.sem_alloc : memref<!tpu.dma_semaphore, #tpu.memory_space<semaphore_mem>>
      %dma_start3A_157 = arith.constant 0 : i32
      %dma_start3A_158 = tpu.memref_slice %arg4[%add3A_17, %dma_start3A_157] : memref<425984x32xf32, #tpu.memory_space<hbm>> -> memref<1024x32xf32, #tpu.memory_space<hbm>>
      %dma_start3A_159 = arith.constant 0 : i32
      %dma_start3A_160 = tpu.memref_slice %arg4[%add3A_17, %dma_start3A_159] : memref<425984x32xf32, #tpu.memory_space<hbm>> -> memref<1024x32xf32, #tpu.memory_space<hbm>>
      tpu.enqueue_dma source(%arg6 : memref<1024x32xf32, #tpu.memory_space<vmem>>) target(%dma_start3A_160 : memref<1024x32xf32, #tpu.memory_space<hbm>>) target_semaphore(%run_scoped3A : memref<!tpu.dma_semaphore, #tpu.memory_space<semaphore_mem>>)
      %dma_wait3A_161 = arith.constant 0 : i32
      %dma_wait3A_162 = tpu.memref_slice %arg4[%add3A_17, %dma_wait3A_161] : memref<425984x32xf32, #tpu.memory_space<hbm>> -> memref<1024x32xf32, #tpu.memory_space<hbm>>
      %dma_wait3A_163 = arith.constant 0 : i32
      %dma_wait3A_164 = tpu.memref_slice %arg4[%add3A_17, %dma_wait3A_163] : memref<425984x32xf32, #tpu.memory_space<hbm>> -> memref<1024x32xf32, #tpu.memory_space<hbm>>
      tpu.wait_dma2 semaphore(%run_scoped3A : memref<!tpu.dma_semaphore, #tpu.memory_space<semaphore_mem>>) src(%arg6 : memref<1024x32xf32, #tpu.memory_space<vmem>>) dst(%dma_wait3A_164 : memref<1024x32xf32, #tpu.memory_space<hbm>>)
      tpu.yield
    }) : () -> ()
    %dma_start3A_18 = arith.constant 2048 : i32
    %dma_start3A_19 = tpu.memref_slice %arg5[%dma_start3A_18] : memref<13312xi32, #tpu.memory_space<vmem>> -> memref<1024xi32, #tpu.memory_space<vmem>>
    %dma_start3A_20 = arith.constant 0 : i32
    %dma_start3A_21 = arith.constant 0 : i32
    %dma_start3A_22 = tpu.memref_slice %arg2[%dma_start3A_20, %dma_start3A_21] : memref<2768896x32xf32, #tpu.memory_space<hbm>> -> memref<2768896x32xf32, #tpu.memory_space<hbm>>
    tpu.enqueue_indirect_dma source(%dma_start3A_22 : memref<2768896x32xf32, #tpu.memory_space<hbm>>) target(%arg6 : memref<1024x32xf32, #tpu.memory_space<vmem>>) offsets(%dma_start3A_19 : memref<1024xi32, #tpu.memory_space<vmem>>) semaphore(%arg8 : memref<!tpu.dma_semaphore, #tpu.memory_space<semaphore_mem>>)
    %dma_wait3A_23 = arith.constant 1024 : i32
    %dma_wait3A_24 = tpu.memref_slice %arg5[%dma_wait3A_23] : memref<13312xi32, #tpu.memory_space<vmem>> -> memref<1024xi32, #tpu.memory_space<vmem>>
    %dma_wait3A_25 = arith.constant 0 : i32
    %dma_wait3A_26 = arith.constant 0 : i32
    %dma_wait3A_27 = tpu.memref_slice %arg2[%dma_wait3A_25, %dma_wait3A_26] : memref<2768896x32xf32, #tpu.memory_space<hbm>> -> memref<2768896x32xf32, #tpu.memory_space<hbm>>
    tpu.wait_indirect_dma semaphore(%arg9 : memref<!tpu.dma_semaphore, #tpu.memory_space<semaphore_mem>>) src(%dma_wait3A_27 : memref<2768896x32xf32, #tpu.memory_space<hbm>>) dst(%arg7 : memref<1024x32xf32, #tpu.memory_space<vmem>>)
    %add3A_28 = arith.constant 1024 : i32
    %add3A_29 = arith.addi %mul3A_2, %add3A_28 : i32
    "tpu.region"() ({
      %run_scoped3A = tpu.sem_alloc : memref<!tpu.dma_semaphore, #tpu.memory_space<semaphore_mem>>
      %dma_start3A_157 = arith.constant 0 : i32
      %dma_start3A_158 = tpu.memref_slice %arg4[%add3A_29, %dma_start3A_157] : memref<425984x32xf32, #tpu.memory_space<hbm>> -> memref<1024x32xf32, #tpu.memory_space<hbm>>
      %dma_start3A_159 = arith.constant 0 : i32
      %dma_start3A_160 = tpu.memref_slice %arg4[%add3A_29, %dma_start3A_159] : memref<425984x32xf32, #tpu.memory_space<hbm>> -> memref<1024x32xf32, #tpu.memory_space<hbm>>
      tpu.enqueue_dma source(%arg7 : memref<1024x32xf32, #tpu.memory_space<vmem>>) target(%dma_start3A_160 : memref<1024x32xf32, #tpu.memory_space<hbm>>) target_semaphore(%run_scoped3A : memref<!tpu.dma_semaphore, #tpu.memory_space<semaphore_mem>>)
      %dma_wait3A_161 = arith.constant 0 : i32
      %dma_wait3A_162 = tpu.memref_slice %arg4[%add3A_29, %dma_wait3A_161] : memref<425984x32xf32, #tpu.memory_space<hbm>> -> memref<1024x32xf32, #tpu.memory_space<hbm>>
      %dma_wait3A_163 = arith.constant 0 : i32
      %dma_wait3A_164 = tpu.memref_slice %arg4[%add3A_29, %dma_wait3A_163] : memref<425984x32xf32, #tpu.memory_space<hbm>> -> memref<1024x32xf32, #tpu.memory_space<hbm>>
      tpu.wait_dma2 semaphore(%run_scoped3A : memref<!tpu.dma_semaphore, #tpu.memory_space<semaphore_mem>>) src(%arg7 : memref<1024x32xf32, #tpu.memory_space<vmem>>) dst(%dma_wait3A_164 : memref<1024x32xf32, #tpu.memory_space<hbm>>)
      tpu.yield
    }) : () -> ()
    %dma_start3A_30 = arith.constant 3072 : i32
    %dma_start3A_31 = tpu.memref_slice %arg5[%dma_start3A_30] : memref<13312xi32, #tpu.memory_space<vmem>> -> memref<1024xi32, #tpu.memory_space<vmem>>
    %dma_start3A_32 = arith.constant 0 : i32
    %dma_start3A_33 = arith.constant 0 : i32
    %dma_start3A_34 = tpu.memref_slice %arg2[%dma_start3A_32, %dma_start3A_33] : memref<2768896x32xf32, #tpu.memory_space<hbm>> -> memref<2768896x32xf32, #tpu.memory_space<hbm>>
    tpu.enqueue_indirect_dma source(%dma_start3A_34 : memref<2768896x32xf32, #tpu.memory_space<hbm>>) target(%arg7 : memref<1024x32xf32, #tpu.memory_space<vmem>>) offsets(%dma_start3A_31 : memref<1024xi32, #tpu.memory_space<vmem>>) semaphore(%arg9 : memref<!tpu.dma_semaphore, #tpu.memory_space<semaphore_mem>>)
    %dma_wait3A_35 = arith.constant 2048 : i32
    %dma_wait3A_36 = tpu.memref_slice %arg5[%dma_wait3A_35] : memref<13312xi32, #tpu.memory_space<vmem>> -> memref<1024xi32, #tpu.memory_space<vmem>>
    %dma_wait3A_37 = arith.constant 0 : i32
    %dma_wait3A_38 = arith.constant 0 : i32
    %dma_wait3A_39 = tpu.memref_slice %arg2[%dma_wait3A_37, %dma_wait3A_38] : memref<2768896x32xf32, #tpu.memory_space<hbm>> -> memref<2768896x32xf32, #tpu.memory_space<hbm>>
    tpu.wait_indirect_dma semaphore(%arg8 : memref<!tpu.dma_semaphore, #tpu.memory_space<semaphore_mem>>) src(%dma_wait3A_39 : memref<2768896x32xf32, #tpu.memory_space<hbm>>) dst(%arg6 : memref<1024x32xf32, #tpu.memory_space<vmem>>)
    %add3A_40 = arith.constant 2048 : i32
    %add3A_41 = arith.addi %mul3A_2, %add3A_40 : i32
    "tpu.region"() ({
      %run_scoped3A = tpu.sem_alloc : memref<!tpu.dma_semaphore, #tpu.memory_space<semaphore_mem>>
      %dma_start3A_157 = arith.constant 0 : i32
      %dma_start3A_158 = tpu.memref_slice %arg4[%add3A_41, %dma_start3A_157] : memref<425984x32xf32, #tpu.memory_space<hbm>> -> memref<1024x32xf32, #tpu.memory_space<hbm>>
      %dma_start3A_159 = arith.constant 0 : i32
      %dma_start3A_160 = tpu.memref_slice %arg4[%add3A_41, %dma_start3A_159] : memref<425984x32xf32, #tpu.memory_space<hbm>> -> memref<1024x32xf32, #tpu.memory_space<hbm>>
      tpu.enqueue_dma source(%arg6 : memref<1024x32xf32, #tpu.memory_space<vmem>>) target(%dma_start3A_160 : memref<1024x32xf32, #tpu.memory_space<hbm>>) target_semaphore(%run_scoped3A : memref<!tpu.dma_semaphore, #tpu.memory_space<semaphore_mem>>)
      %dma_wait3A_161 = arith.constant 0 : i32
      %dma_wait3A_162 = tpu.memref_slice %arg4[%add3A_41, %dma_wait3A_161] : memref<425984x32xf32, #tpu.memory_space<hbm>> -> memref<1024x32xf32, #tpu.memory_space<hbm>>
      %dma_wait3A_163 = arith.constant 0 : i32
      %dma_wait3A_164 = tpu.memref_slice %arg4[%add3A_41, %dma_wait3A_163] : memref<425984x32xf32, #tpu.memory_space<hbm>> -> memref<1024x32xf32, #tpu.memory_space<hbm>>
      tpu.wait_dma2 semaphore(%run_scoped3A : memref<!tpu.dma_semaphore, #tpu.memory_space<semaphore_mem>>) src(%arg6 : memref<1024x32xf32, #tpu.memory_space<vmem>>) dst(%dma_wait3A_164 : memref<1024x32xf32, #tpu.memory_space<hbm>>)
      tpu.yield
    }) : () -> ()
    %dma_start3A_42 = arith.constant 4096 : i32
    %dma_start3A_43 = tpu.memref_slice %arg5[%dma_start3A_42] : memref<13312xi32, #tpu.memory_space<vmem>> -> memref<1024xi32, #tpu.memory_space<vmem>>
    %dma_start3A_44 = arith.constant 0 : i32
    %dma_start3A_45 = arith.constant 0 : i32
    %dma_start3A_46 = tpu.memref_slice %arg2[%dma_start3A_44, %dma_start3A_45] : memref<2768896x32xf32, #tpu.memory_space<hbm>> -> memref<2768896x32xf32, #tpu.memory_space<hbm>>
    tpu.enqueue_indirect_dma source(%dma_start3A_46 : memref<2768896x32xf32, #tpu.memory_space<hbm>>) target(%arg6 : memref<1024x32xf32, #tpu.memory_space<vmem>>) offsets(%dma_start3A_43 : memref<1024xi32, #tpu.memory_space<vmem>>) semaphore(%arg8 : memref<!tpu.dma_semaphore, #tpu.memory_space<semaphore_mem>>)
    %dma_wait3A_47 = arith.constant 3072 : i32
    %dma_wait3A_48 = tpu.memref_slice %arg5[%dma_wait3A_47] : memref<13312xi32, #tpu.memory_space<vmem>> -> memref<1024xi32, #tpu.memory_space<vmem>>
    %dma_wait3A_49 = arith.constant 0 : i32
    %dma_wait3A_50 = arith.constant 0 : i32
    %dma_wait3A_51 = tpu.memref_slice %arg2[%dma_wait3A_49, %dma_wait3A_50] : memref<2768896x32xf32, #tpu.memory_space<hbm>> -> memref<2768896x32xf32, #tpu.memory_space<hbm>>
    tpu.wait_indirect_dma semaphore(%arg9 : memref<!tpu.dma_semaphore, #tpu.memory_space<semaphore_mem>>) src(%dma_wait3A_51 : memref<2768896x32xf32, #tpu.memory_space<hbm>>) dst(%arg7 : memref<1024x32xf32, #tpu.memory_space<vmem>>)
    %add3A_52 = arith.constant 3072 : i32
    %add3A_53 = arith.addi %mul3A_2, %add3A_52 : i32
    "tpu.region"() ({
      %run_scoped3A = tpu.sem_alloc : memref<!tpu.dma_semaphore, #tpu.memory_space<semaphore_mem>>
      %dma_start3A_157 = arith.constant 0 : i32
      %dma_start3A_158 = tpu.memref_slice %arg4[%add3A_53, %dma_start3A_157] : memref<425984x32xf32, #tpu.memory_space<hbm>> -> memref<1024x32xf32, #tpu.memory_space<hbm>>
      %dma_start3A_159 = arith.constant 0 : i32
      %dma_start3A_160 = tpu.memref_slice %arg4[%add3A_53, %dma_start3A_159] : memref<425984x32xf32, #tpu.memory_space<hbm>> -> memref<1024x32xf32, #tpu.memory_space<hbm>>
      tpu.enqueue_dma source(%arg7 : memref<1024x32xf32, #tpu.memory_space<vmem>>) target(%dma_start3A_160 : memref<1024x32xf32, #tpu.memory_space<hbm>>) target_semaphore(%run_scoped3A : memref<!tpu.dma_semaphore, #tpu.memory_space<semaphore_mem>>)
      %dma_wait3A_161 = arith.constant 0 : i32
      %dma_wait3A_162 = tpu.memref_slice %arg4[%add3A_53, %dma_wait3A_161] : memref<425984x32xf32, #tpu.memory_space<hbm>> -> memref<1024x32xf32, #tpu.memory_space<hbm>>
      %dma_wait3A_163 = arith.constant 0 : i32
      %dma_wait3A_164 = tpu.memref_slice %arg4[%add3A_53, %dma_wait3A_163] : memref<425984x32xf32, #tpu.memory_space<hbm>> -> memref<1024x32xf32, #tpu.memory_space<hbm>>
      tpu.wait_dma2 semaphore(%run_scoped3A : memref<!tpu.dma_semaphore, #tpu.memory_space<semaphore_mem>>) src(%arg7 : memref<1024x32xf32, #tpu.memory_space<vmem>>) dst(%dma_wait3A_164 : memref<1024x32xf32, #tpu.memory_space<hbm>>)
      tpu.yield
    }) : () -> ()
    %dma_start3A_54 = arith.constant 5120 : i32
    %dma_start3A_55 = tpu.memref_slice %arg5[%dma_start3A_54] : memref<13312xi32, #tpu.memory_space<vmem>> -> memref<1024xi32, #tpu.memory_space<vmem>>
    %dma_start3A_56 = arith.constant 0 : i32
    %dma_start3A_57 = arith.constant 0 : i32
    %dma_start3A_58 = tpu.memref_slice %arg2[%dma_start3A_56, %dma_start3A_57] : memref<2768896x32xf32, #tpu.memory_space<hbm>> -> memref<2768896x32xf32, #tpu.memory_space<hbm>>
    tpu.enqueue_indirect_dma source(%dma_start3A_58 : memref<2768896x32xf32, #tpu.memory_space<hbm>>) target(%arg7 : memref<1024x32xf32, #tpu.memory_space<vmem>>) offsets(%dma_start3A_55 : memref<1024xi32, #tpu.memory_space<vmem>>) semaphore(%arg9 : memref<!tpu.dma_semaphore, #tpu.memory_space<semaphore_mem>>)
    %dma_wait3A_59 = arith.constant 4096 : i32
    %dma_wait3A_60 = tpu.memref_slice %arg5[%dma_wait3A_59] : memref<13312xi32, #tpu.memory_space<vmem>> -> memref<1024xi32, #tpu.memory_space<vmem>>
    %dma_wait3A_61 = arith.constant 0 : i32
    %dma_wait3A_62 = arith.constant 0 : i32
    %dma_wait3A_63 = tpu.memref_slice %arg2[%dma_wait3A_61, %dma_wait3A_62] : memref<2768896x32xf32, #tpu.memory_space<hbm>> -> memref<2768896x32xf32, #tpu.memory_space<hbm>>
    tpu.wait_indirect_dma semaphore(%arg8 : memref<!tpu.dma_semaphore, #tpu.memory_space<semaphore_mem>>) src(%dma_wait3A_63 : memref<2768896x32xf32, #tpu.memory_space<hbm>>) dst(%arg6 : memref<1024x32xf32, #tpu.memory_space<vmem>>)
    %add3A_64 = arith.constant 4096 : i32
    %add3A_65 = arith.addi %mul3A_2, %add3A_64 : i32
    "tpu.region"() ({
      %run_scoped3A = tpu.sem_alloc : memref<!tpu.dma_semaphore, #tpu.memory_space<semaphore_mem>>
      %dma_start3A_157 = arith.constant 0 : i32
      %dma_start3A_158 = tpu.memref_slice %arg4[%add3A_65, %dma_start3A_157] : memref<425984x32xf32, #tpu.memory_space<hbm>> -> memref<1024x32xf32, #tpu.memory_space<hbm>>
      %dma_start3A_159 = arith.constant 0 : i32
      %dma_start3A_160 = tpu.memref_slice %arg4[%add3A_65, %dma_start3A_159] : memref<425984x32xf32, #tpu.memory_space<hbm>> -> memref<1024x32xf32, #tpu.memory_space<hbm>>
      tpu.enqueue_dma source(%arg6 : memref<1024x32xf32, #tpu.memory_space<vmem>>) target(%dma_start3A_160 : memref<1024x32xf32, #tpu.memory_space<hbm>>) target_semaphore(%run_scoped3A : memref<!tpu.dma_semaphore, #tpu.memory_space<semaphore_mem>>)
      %dma_wait3A_161 = arith.constant 0 : i32
      %dma_wait3A_162 = tpu.memref_slice %arg4[%add3A_65, %dma_wait3A_161] : memref<425984x32xf32, #tpu.memory_space<hbm>> -> memref<1024x32xf32, #tpu.memory_space<hbm>>
      %dma_wait3A_163 = arith.constant 0 : i32
      %dma_wait3A_164 = tpu.memref_slice %arg4[%add3A_65, %dma_wait3A_163] : memref<425984x32xf32, #tpu.memory_space<hbm>> -> memref<1024x32xf32, #tpu.memory_space<hbm>>
      tpu.wait_dma2 semaphore(%run_scoped3A : memref<!tpu.dma_semaphore, #tpu.memory_space<semaphore_mem>>) src(%arg6 : memref<1024x32xf32, #tpu.memory_space<vmem>>) dst(%dma_wait3A_164 : memref<1024x32xf32, #tpu.memory_space<hbm>>)
      tpu.yield
    }) : () -> ()
    %dma_start3A_66 = arith.constant 6144 : i32
    %dma_start3A_67 = tpu.memref_slice %arg5[%dma_start3A_66] : memref<13312xi32, #tpu.memory_space<vmem>> -> memref<1024xi32, #tpu.memory_space<vmem>>
    %dma_start3A_68 = arith.constant 0 : i32
    %dma_start3A_69 = arith.constant 0 : i32
    %dma_start3A_70 = tpu.memref_slice %arg2[%dma_start3A_68, %dma_start3A_69] : memref<2768896x32xf32, #tpu.memory_space<hbm>> -> memref<2768896x32xf32, #tpu.memory_space<hbm>>
    tpu.enqueue_indirect_dma source(%dma_start3A_70 : memref<2768896x32xf32, #tpu.memory_space<hbm>>) target(%arg6 : memref<1024x32xf32, #tpu.memory_space<vmem>>) offsets(%dma_start3A_67 : memref<1024xi32, #tpu.memory_space<vmem>>) semaphore(%arg8 : memref<!tpu.dma_semaphore, #tpu.memory_space<semaphore_mem>>)
    %dma_wait3A_71 = arith.constant 5120 : i32
    %dma_wait3A_72 = tpu.memref_slice %arg5[%dma_wait3A_71] : memref<13312xi32, #tpu.memory_space<vmem>> -> memref<1024xi32, #tpu.memory_space<vmem>>
    %dma_wait3A_73 = arith.constant 0 : i32
    %dma_wait3A_74 = arith.constant 0 : i32
    %dma_wait3A_75 = tpu.memref_slice %arg2[%dma_wait3A_73, %dma_wait3A_74] : memref<2768896x32xf32, #tpu.memory_space<hbm>> -> memref<2768896x32xf32, #tpu.memory_space<hbm>>
    tpu.wait_indirect_dma semaphore(%arg9 : memref<!tpu.dma_semaphore, #tpu.memory_space<semaphore_mem>>) src(%dma_wait3A_75 : memref<2768896x32xf32, #tpu.memory_space<hbm>>) dst(%arg7 : memref<1024x32xf32, #tpu.memory_space<vmem>>)
    %add3A_76 = arith.constant 5120 : i32
    %add3A_77 = arith.addi %mul3A_2, %add3A_76 : i32
    "tpu.region"() ({
      %run_scoped3A = tpu.sem_alloc : memref<!tpu.dma_semaphore, #tpu.memory_space<semaphore_mem>>
      %dma_start3A_157 = arith.constant 0 : i32
      %dma_start3A_158 = tpu.memref_slice %arg4[%add3A_77, %dma_start3A_157] : memref<425984x32xf32, #tpu.memory_space<hbm>> -> memref<1024x32xf32, #tpu.memory_space<hbm>>
      %dma_start3A_159 = arith.constant 0 : i32
      %dma_start3A_160 = tpu.memref_slice %arg4[%add3A_77, %dma_start3A_159] : memref<425984x32xf32, #tpu.memory_space<hbm>> -> memref<1024x32xf32, #tpu.memory_space<hbm>>
      tpu.enqueue_dma source(%arg7 : memref<1024x32xf32, #tpu.memory_space<vmem>>) target(%dma_start3A_160 : memref<1024x32xf32, #tpu.memory_space<hbm>>) target_semaphore(%run_scoped3A : memref<!tpu.dma_semaphore, #tpu.memory_space<semaphore_mem>>)
      %dma_wait3A_161 = arith.constant 0 : i32
      %dma_wait3A_162 = tpu.memref_slice %arg4[%add3A_77, %dma_wait3A_161] : memref<425984x32xf32, #tpu.memory_space<hbm>> -> memref<1024x32xf32, #tpu.memory_space<hbm>>
      %dma_wait3A_163 = arith.constant 0 : i32
      %dma_wait3A_164 = tpu.memref_slice %arg4[%add3A_77, %dma_wait3A_163] : memref<425984x32xf32, #tpu.memory_space<hbm>> -> memref<1024x32xf32, #tpu.memory_space<hbm>>
      tpu.wait_dma2 semaphore(%run_scoped3A : memref<!tpu.dma_semaphore, #tpu.memory_space<semaphore_mem>>) src(%arg7 : memref<1024x32xf32, #tpu.memory_space<vmem>>) dst(%dma_wait3A_164 : memref<1024x32xf32, #tpu.memory_space<hbm>>)
      tpu.yield
    }) : () -> ()
    %dma_start3A_78 = arith.constant 7168 : i32
    %dma_start3A_79 = tpu.memref_slice %arg5[%dma_start3A_78] : memref<13312xi32, #tpu.memory_space<vmem>> -> memref<1024xi32, #tpu.memory_space<vmem>>
    %dma_start3A_80 = arith.constant 0 : i32
    %dma_start3A_81 = arith.constant 0 : i32
    %dma_start3A_82 = tpu.memref_slice %arg2[%dma_start3A_80, %dma_start3A_81] : memref<2768896x32xf32, #tpu.memory_space<hbm>> -> memref<2768896x32xf32, #tpu.memory_space<hbm>>
    tpu.enqueue_indirect_dma source(%dma_start3A_82 : memref<2768896x32xf32, #tpu.memory_space<hbm>>) target(%arg7 : memref<1024x32xf32, #tpu.memory_space<vmem>>) offsets(%dma_start3A_79 : memref<1024xi32, #tpu.memory_space<vmem>>) semaphore(%arg9 : memref<!tpu.dma_semaphore, #tpu.memory_space<semaphore_mem>>)
    %dma_wait3A_83 = arith.constant 6144 : i32
    %dma_wait3A_84 = tpu.memref_slice %arg5[%dma_wait3A_83] : memref<13312xi32, #tpu.memory_space<vmem>> -> memref<1024xi32, #tpu.memory_space<vmem>>
    %dma_wait3A_85 = arith.constant 0 : i32
    %dma_wait3A_86 = arith.constant 0 : i32
    %dma_wait3A_87 = tpu.memref_slice %arg2[%dma_wait3A_85, %dma_wait3A_86] : memref<2768896x32xf32, #tpu.memory_space<hbm>> -> memref<2768896x32xf32, #tpu.memory_space<hbm>>
    tpu.wait_indirect_dma semaphore(%arg8 : memref<!tpu.dma_semaphore, #tpu.memory_space<semaphore_mem>>) src(%dma_wait3A_87 : memref<2768896x32xf32, #tpu.memory_space<hbm>>) dst(%arg6 : memref<1024x32xf32, #tpu.memory_space<vmem>>)
    %add3A_88 = arith.constant 6144 : i32
    %add3A_89 = arith.addi %mul3A_2, %add3A_88 : i32
    "tpu.region"() ({
      %run_scoped3A = tpu.sem_alloc : memref<!tpu.dma_semaphore, #tpu.memory_space<semaphore_mem>>
      %dma_start3A_157 = arith.constant 0 : i32
      %dma_start3A_158 = tpu.memref_slice %arg4[%add3A_89, %dma_start3A_157] : memref<425984x32xf32, #tpu.memory_space<hbm>> -> memref<1024x32xf32, #tpu.memory_space<hbm>>
      %dma_start3A_159 = arith.constant 0 : i32
      %dma_start3A_160 = tpu.memref_slice %arg4[%add3A_89, %dma_start3A_159] : memref<425984x32xf32, #tpu.memory_space<hbm>> -> memref<1024x32xf32, #tpu.memory_space<hbm>>
      tpu.enqueue_dma source(%arg6 : memref<1024x32xf32, #tpu.memory_space<vmem>>) target(%dma_start3A_160 : memref<1024x32xf32, #tpu.memory_space<hbm>>) target_semaphore(%run_scoped3A : memref<!tpu.dma_semaphore, #tpu.memory_space<semaphore_mem>>)
      %dma_wait3A_161 = arith.constant 0 : i32
      %dma_wait3A_162 = tpu.memref_slice %arg4[%add3A_89, %dma_wait3A_161] : memref<425984x32xf32, #tpu.memory_space<hbm>> -> memref<1024x32xf32, #tpu.memory_space<hbm>>
      %dma_wait3A_163 = arith.constant 0 : i32
      %dma_wait3A_164 = tpu.memref_slice %arg4[%add3A_89, %dma_wait3A_163] : memref<425984x32xf32, #tpu.memory_space<hbm>> -> memref<1024x32xf32, #tpu.memory_space<hbm>>
      tpu.wait_dma2 semaphore(%run_scoped3A : memref<!tpu.dma_semaphore, #tpu.memory_space<semaphore_mem>>) src(%arg6 : memref<1024x32xf32, #tpu.memory_space<vmem>>) dst(%dma_wait3A_164 : memref<1024x32xf32, #tpu.memory_space<hbm>>)
      tpu.yield
    }) : () -> ()
    %dma_start3A_90 = arith.constant 8192 : i32
    %dma_start3A_91 = tpu.memref_slice %arg5[%dma_start3A_90] : memref<13312xi32, #tpu.memory_space<vmem>> -> memref<1024xi32, #tpu.memory_space<vmem>>
    %dma_start3A_92 = arith.constant 0 : i32
    %dma_start3A_93 = arith.constant 0 : i32
    %dma_start3A_94 = tpu.memref_slice %arg2[%dma_start3A_92, %dma_start3A_93] : memref<2768896x32xf32, #tpu.memory_space<hbm>> -> memref<2768896x32xf32, #tpu.memory_space<hbm>>
    tpu.enqueue_indirect_dma source(%dma_start3A_94 : memref<2768896x32xf32, #tpu.memory_space<hbm>>) target(%arg6 : memref<1024x32xf32, #tpu.memory_space<vmem>>) offsets(%dma_start3A_91 : memref<1024xi32, #tpu.memory_space<vmem>>) semaphore(%arg8 : memref<!tpu.dma_semaphore, #tpu.memory_space<semaphore_mem>>)
    %dma_wait3A_95 = arith.constant 7168 : i32
    %dma_wait3A_96 = tpu.memref_slice %arg5[%dma_wait3A_95] : memref<13312xi32, #tpu.memory_space<vmem>> -> memref<1024xi32, #tpu.memory_space<vmem>>
    %dma_wait3A_97 = arith.constant 0 : i32
    %dma_wait3A_98 = arith.constant 0 : i32
    %dma_wait3A_99 = tpu.memref_slice %arg2[%dma_wait3A_97, %dma_wait3A_98] : memref<2768896x32xf32, #tpu.memory_space<hbm>> -> memref<2768896x32xf32, #tpu.memory_space<hbm>>
    tpu.wait_indirect_dma semaphore(%arg9 : memref<!tpu.dma_semaphore, #tpu.memory_space<semaphore_mem>>) src(%dma_wait3A_99 : memref<2768896x32xf32, #tpu.memory_space<hbm>>) dst(%arg7 : memref<1024x32xf32, #tpu.memory_space<vmem>>)
    %add3A_100 = arith.constant 7168 : i32
    %add3A_101 = arith.addi %mul3A_2, %add3A_100 : i32
    "tpu.region"() ({
      %run_scoped3A = tpu.sem_alloc : memref<!tpu.dma_semaphore, #tpu.memory_space<semaphore_mem>>
      %dma_start3A_157 = arith.constant 0 : i32
      %dma_start3A_158 = tpu.memref_slice %arg4[%add3A_101, %dma_start3A_157] : memref<425984x32xf32, #tpu.memory_space<hbm>> -> memref<1024x32xf32, #tpu.memory_space<hbm>>
      %dma_start3A_159 = arith.constant 0 : i32
      %dma_start3A_160 = tpu.memref_slice %arg4[%add3A_101, %dma_start3A_159] : memref<425984x32xf32, #tpu.memory_space<hbm>> -> memref<1024x32xf32, #tpu.memory_space<hbm>>
      tpu.enqueue_dma source(%arg7 : memref<1024x32xf32, #tpu.memory_space<vmem>>) target(%dma_start3A_160 : memref<1024x32xf32, #tpu.memory_space<hbm>>) target_semaphore(%run_scoped3A : memref<!tpu.dma_semaphore, #tpu.memory_space<semaphore_mem>>)
      %dma_wait3A_161 = arith.constant 0 : i32
      %dma_wait3A_162 = tpu.memref_slice %arg4[%add3A_101, %dma_wait3A_161] : memref<425984x32xf32, #tpu.memory_space<hbm>> -> memref<1024x32xf32, #tpu.memory_space<hbm>>
      %dma_wait3A_163 = arith.constant 0 : i32
      %dma_wait3A_164 = tpu.memref_slice %arg4[%add3A_101, %dma_wait3A_163] : memref<425984x32xf32, #tpu.memory_space<hbm>> -> memref<1024x32xf32, #tpu.memory_space<hbm>>
      tpu.wait_dma2 semaphore(%run_scoped3A : memref<!tpu.dma_semaphore, #tpu.memory_space<semaphore_mem>>) src(%arg7 : memref<1024x32xf32, #tpu.memory_space<vmem>>) dst(%dma_wait3A_164 : memref<1024x32xf32, #tpu.memory_space<hbm>>)
      tpu.yield
    }) : () -> ()
    %dma_start3A_102 = arith.constant 9216 : i32
    %dma_start3A_103 = tpu.memref_slice %arg5[%dma_start3A_102] : memref<13312xi32, #tpu.memory_space<vmem>> -> memref<1024xi32, #tpu.memory_space<vmem>>
    %dma_start3A_104 = arith.constant 0 : i32
    %dma_start3A_105 = arith.constant 0 : i32
    %dma_start3A_106 = tpu.memref_slice %arg2[%dma_start3A_104, %dma_start3A_105] : memref<2768896x32xf32, #tpu.memory_space<hbm>> -> memref<2768896x32xf32, #tpu.memory_space<hbm>>
    tpu.enqueue_indirect_dma source(%dma_start3A_106 : memref<2768896x32xf32, #tpu.memory_space<hbm>>) target(%arg7 : memref<1024x32xf32, #tpu.memory_space<vmem>>) offsets(%dma_start3A_103 : memref<1024xi32, #tpu.memory_space<vmem>>) semaphore(%arg9 : memref<!tpu.dma_semaphore, #tpu.memory_space<semaphore_mem>>)
    %dma_wait3A_107 = arith.constant 8192 : i32
    %dma_wait3A_108 = tpu.memref_slice %arg5[%dma_wait3A_107] : memref<13312xi32, #tpu.memory_space<vmem>> -> memref<1024xi32, #tpu.memory_space<vmem>>
    %dma_wait3A_109 = arith.constant 0 : i32
    %dma_wait3A_110 = arith.constant 0 : i32
    %dma_wait3A_111 = tpu.memref_slice %arg2[%dma_wait3A_109, %dma_wait3A_110] : memref<2768896x32xf32, #tpu.memory_space<hbm>> -> memref<2768896x32xf32, #tpu.memory_space<hbm>>
    tpu.wait_indirect_dma semaphore(%arg8 : memref<!tpu.dma_semaphore, #tpu.memory_space<semaphore_mem>>) src(%dma_wait3A_111 : memref<2768896x32xf32, #tpu.memory_space<hbm>>) dst(%arg6 : memref<1024x32xf32, #tpu.memory_space<vmem>>)
    %add3A_112 = arith.constant 8192 : i32
    %add3A_113 = arith.addi %mul3A_2, %add3A_112 : i32
    "tpu.region"() ({
      %run_scoped3A = tpu.sem_alloc : memref<!tpu.dma_semaphore, #tpu.memory_space<semaphore_mem>>
      %dma_start3A_157 = arith.constant 0 : i32
      %dma_start3A_158 = tpu.memref_slice %arg4[%add3A_113, %dma_start3A_157] : memref<425984x32xf32, #tpu.memory_space<hbm>> -> memref<1024x32xf32, #tpu.memory_space<hbm>>
      %dma_start3A_159 = arith.constant 0 : i32
      %dma_start3A_160 = tpu.memref_slice %arg4[%add3A_113, %dma_start3A_159] : memref<425984x32xf32, #tpu.memory_space<hbm>> -> memref<1024x32xf32, #tpu.memory_space<hbm>>
      tpu.enqueue_dma source(%arg6 : memref<1024x32xf32, #tpu.memory_space<vmem>>) target(%dma_start3A_160 : memref<1024x32xf32, #tpu.memory_space<hbm>>) target_semaphore(%run_scoped3A : memref<!tpu.dma_semaphore, #tpu.memory_space<semaphore_mem>>)
      %dma_wait3A_161 = arith.constant 0 : i32
      %dma_wait3A_162 = tpu.memref_slice %arg4[%add3A_113, %dma_wait3A_161] : memref<425984x32xf32, #tpu.memory_space<hbm>> -> memref<1024x32xf32, #tpu.memory_space<hbm>>
      %dma_wait3A_163 = arith.constant 0 : i32
      %dma_wait3A_164 = tpu.memref_slice %arg4[%add3A_113, %dma_wait3A_163] : memref<425984x32xf32, #tpu.memory_space<hbm>> -> memref<1024x32xf32, #tpu.memory_space<hbm>>
      tpu.wait_dma2 semaphore(%run_scoped3A : memref<!tpu.dma_semaphore, #tpu.memory_space<semaphore_mem>>) src(%arg6 : memref<1024x32xf32, #tpu.memory_space<vmem>>) dst(%dma_wait3A_164 : memref<1024x32xf32, #tpu.memory_space<hbm>>)
      tpu.yield
    }) : () -> ()
    %dma_start3A_114 = arith.constant 10240 : i32
    %dma_start3A_115 = tpu.memref_slice %arg5[%dma_start3A_114] : memref<13312xi32, #tpu.memory_space<vmem>> -> memref<1024xi32, #tpu.memory_space<vmem>>
    %dma_start3A_116 = arith.constant 0 : i32
    %dma_start3A_117 = arith.constant 0 : i32
    %dma_start3A_118 = tpu.memref_slice %arg2[%dma_start3A_116, %dma_start3A_117] : memref<2768896x32xf32, #tpu.memory_space<hbm>> -> memref<2768896x32xf32, #tpu.memory_space<hbm>>
    tpu.enqueue_indirect_dma source(%dma_start3A_118 : memref<2768896x32xf32, #tpu.memory_space<hbm>>) target(%arg6 : memref<1024x32xf32, #tpu.memory_space<vmem>>) offsets(%dma_start3A_115 : memref<1024xi32, #tpu.memory_space<vmem>>) semaphore(%arg8 : memref<!tpu.dma_semaphore, #tpu.memory_space<semaphore_mem>>)
    %dma_wait3A_119 = arith.constant 9216 : i32
    %dma_wait3A_120 = tpu.memref_slice %arg5[%dma_wait3A_119] : memref<13312xi32, #tpu.memory_space<vmem>> -> memref<1024xi32, #tpu.memory_space<vmem>>
    %dma_wait3A_121 = arith.constant 0 : i32
    %dma_wait3A_122 = arith.constant 0 : i32
    %dma_wait3A_123 = tpu.memref_slice %arg2[%dma_wait3A_121, %dma_wait3A_122] : memref<2768896x32xf32, #tpu.memory_space<hbm>> -> memref<2768896x32xf32, #tpu.memory_space<hbm>>
    tpu.wait_indirect_dma semaphore(%arg9 : memref<!tpu.dma_semaphore, #tpu.memory_space<semaphore_mem>>) src(%dma_wait3A_123 : memref<2768896x32xf32, #tpu.memory_space<hbm>>) dst(%arg7 : memref<1024x32xf32, #tpu.memory_space<vmem>>)
    %add3A_124 = arith.constant 9216 : i32
    %add3A_125 = arith.addi %mul3A_2, %add3A_124 : i32
    "tpu.region"() ({
      %run_scoped3A = tpu.sem_alloc : memref<!tpu.dma_semaphore, #tpu.memory_space<semaphore_mem>>
      %dma_start3A_157 = arith.constant 0 : i32
      %dma_start3A_158 = tpu.memref_slice %arg4[%add3A_125, %dma_start3A_157] : memref<425984x32xf32, #tpu.memory_space<hbm>> -> memref<1024x32xf32, #tpu.memory_space<hbm>>
      %dma_start3A_159 = arith.constant 0 : i32
      %dma_start3A_160 = tpu.memref_slice %arg4[%add3A_125, %dma_start3A_159] : memref<425984x32xf32, #tpu.memory_space<hbm>> -> memref<1024x32xf32, #tpu.memory_space<hbm>>
      tpu.enqueue_dma source(%arg7 : memref<1024x32xf32, #tpu.memory_space<vmem>>) target(%dma_start3A_160 : memref<1024x32xf32, #tpu.memory_space<hbm>>) target_semaphore(%run_scoped3A : memref<!tpu.dma_semaphore, #tpu.memory_space<semaphore_mem>>)
      %dma_wait3A_161 = arith.constant 0 : i32
      %dma_wait3A_162 = tpu.memref_slice %arg4[%add3A_125, %dma_wait3A_161] : memref<425984x32xf32, #tpu.memory_space<hbm>> -> memref<1024x32xf32, #tpu.memory_space<hbm>>
      %dma_wait3A_163 = arith.constant 0 : i32
      %dma_wait3A_164 = tpu.memref_slice %arg4[%add3A_125, %dma_wait3A_163] : memref<425984x32xf32, #tpu.memory_space<hbm>> -> memref<1024x32xf32, #tpu.memory_space<hbm>>
      tpu.wait_dma2 semaphore(%run_scoped3A : memref<!tpu.dma_semaphore, #tpu.memory_space<semaphore_mem>>) src(%arg7 : memref<1024x32xf32, #tpu.memory_space<vmem>>) dst(%dma_wait3A_164 : memref<1024x32xf32, #tpu.memory_space<hbm>>)
      tpu.yield
    }) : () -> ()
    %dma_start3A_126 = arith.constant 11264 : i32
    %dma_start3A_127 = tpu.memref_slice %arg5[%dma_start3A_126] : memref<13312xi32, #tpu.memory_space<vmem>> -> memref<1024xi32, #tpu.memory_space<vmem>>
    %dma_start3A_128 = arith.constant 0 : i32
    %dma_start3A_129 = arith.constant 0 : i32
    %dma_start3A_130 = tpu.memref_slice %arg2[%dma_start3A_128, %dma_start3A_129] : memref<2768896x32xf32, #tpu.memory_space<hbm>> -> memref<2768896x32xf32, #tpu.memory_space<hbm>>
    tpu.enqueue_indirect_dma source(%dma_start3A_130 : memref<2768896x32xf32, #tpu.memory_space<hbm>>) target(%arg7 : memref<1024x32xf32, #tpu.memory_space<vmem>>) offsets(%dma_start3A_127 : memref<1024xi32, #tpu.memory_space<vmem>>) semaphore(%arg9 : memref<!tpu.dma_semaphore, #tpu.memory_space<semaphore_mem>>)
    %dma_wait3A_131 = arith.constant 10240 : i32
    %dma_wait3A_132 = tpu.memref_slice %arg5[%dma_wait3A_131] : memref<13312xi32, #tpu.memory_space<vmem>> -> memref<1024xi32, #tpu.memory_space<vmem>>
    %dma_wait3A_133 = arith.constant 0 : i32
    %dma_wait3A_134 = arith.constant 0 : i32
    %dma_wait3A_135 = tpu.memref_slice %arg2[%dma_wait3A_133, %dma_wait3A_134] : memref<2768896x32xf32, #tpu.memory_space<hbm>> -> memref<2768896x32xf32, #tpu.memory_space<hbm>>
    tpu.wait_indirect_dma semaphore(%arg8 : memref<!tpu.dma_semaphore, #tpu.memory_space<semaphore_mem>>) src(%dma_wait3A_135 : memref<2768896x32xf32, #tpu.memory_space<hbm>>) dst(%arg6 : memref<1024x32xf32, #tpu.memory_space<vmem>>)
    %add3A_136 = arith.constant 10240 : i32
    %add3A_137 = arith.addi %mul3A_2, %add3A_136 : i32
    "tpu.region"() ({
      %run_scoped3A = tpu.sem_alloc : memref<!tpu.dma_semaphore, #tpu.memory_space<semaphore_mem>>
      %dma_start3A_157 = arith.constant 0 : i32
      %dma_start3A_158 = tpu.memref_slice %arg4[%add3A_137, %dma_start3A_157] : memref<425984x32xf32, #tpu.memory_space<hbm>> -> memref<1024x32xf32, #tpu.memory_space<hbm>>
      %dma_start3A_159 = arith.constant 0 : i32
      %dma_start3A_160 = tpu.memref_slice %arg4[%add3A_137, %dma_start3A_159] : memref<425984x32xf32, #tpu.memory_space<hbm>> -> memref<1024x32xf32, #tpu.memory_space<hbm>>
      tpu.enqueue_dma source(%arg6 : memref<1024x32xf32, #tpu.memory_space<vmem>>) target(%dma_start3A_160 : memref<1024x32xf32, #tpu.memory_space<hbm>>) target_semaphore(%run_scoped3A : memref<!tpu.dma_semaphore, #tpu.memory_space<semaphore_mem>>)
      %dma_wait3A_161 = arith.constant 0 : i32
      %dma_wait3A_162 = tpu.memref_slice %arg4[%add3A_137, %dma_wait3A_161] : memref<425984x32xf32, #tpu.memory_space<hbm>> -> memref<1024x32xf32, #tpu.memory_space<hbm>>
      %dma_wait3A_163 = arith.constant 0 : i32
      %dma_wait3A_164 = tpu.memref_slice %arg4[%add3A_137, %dma_wait3A_163] : memref<425984x32xf32, #tpu.memory_space<hbm>> -> memref<1024x32xf32, #tpu.memory_space<hbm>>
      tpu.wait_dma2 semaphore(%run_scoped3A : memref<!tpu.dma_semaphore, #tpu.memory_space<semaphore_mem>>) src(%arg6 : memref<1024x32xf32, #tpu.memory_space<vmem>>) dst(%dma_wait3A_164 : memref<1024x32xf32, #tpu.memory_space<hbm>>)
      tpu.yield
    }) : () -> ()
    %dma_start3A_138 = arith.constant 12288 : i32
    %dma_start3A_139 = tpu.memref_slice %arg5[%dma_start3A_138] : memref<13312xi32, #tpu.memory_space<vmem>> -> memref<1024xi32, #tpu.memory_space<vmem>>
    %dma_start3A_140 = arith.constant 0 : i32
    %dma_start3A_141 = arith.constant 0 : i32
    %dma_start3A_142 = tpu.memref_slice %arg2[%dma_start3A_140, %dma_start3A_141] : memref<2768896x32xf32, #tpu.memory_space<hbm>> -> memref<2768896x32xf32, #tpu.memory_space<hbm>>
    tpu.enqueue_indirect_dma source(%dma_start3A_142 : memref<2768896x32xf32, #tpu.memory_space<hbm>>) target(%arg6 : memref<1024x32xf32, #tpu.memory_space<vmem>>) offsets(%dma_start3A_139 : memref<1024xi32, #tpu.memory_space<vmem>>) semaphore(%arg8 : memref<!tpu.dma_semaphore, #tpu.memory_space<semaphore_mem>>)
    %dma_wait3A_143 = arith.constant 11264 : i32
    %dma_wait3A_144 = tpu.memref_slice %arg5[%dma_wait3A_143] : memref<13312xi32, #tpu.memory_space<vmem>> -> memref<1024xi32, #tpu.memory_space<vmem>>
    %dma_wait3A_145 = arith.constant 0 : i32
    %dma_wait3A_146 = arith.constant 0 : i32
    %dma_wait3A_147 = tpu.memref_slice %arg2[%dma_wait3A_145, %dma_wait3A_146] : memref<2768896x32xf32, #tpu.memory_space<hbm>> -> memref<2768896x32xf32, #tpu.memory_space<hbm>>
    tpu.wait_indirect_dma semaphore(%arg9 : memref<!tpu.dma_semaphore, #tpu.memory_space<semaphore_mem>>) src(%dma_wait3A_147 : memref<2768896x32xf32, #tpu.memory_space<hbm>>) dst(%arg7 : memref<1024x32xf32, #tpu.memory_space<vmem>>)
    %add3A_148 = arith.constant 11264 : i32
    %add3A_149 = arith.addi %mul3A_2, %add3A_148 : i32
    "tpu.region"() ({
      %run_scoped3A = tpu.sem_alloc : memref<!tpu.dma_semaphore, #tpu.memory_space<semaphore_mem>>
      %dma_start3A_157 = arith.constant 0 : i32
      %dma_start3A_158 = tpu.memref_slice %arg4[%add3A_149, %dma_start3A_157] : memref<425984x32xf32, #tpu.memory_space<hbm>> -> memref<1024x32xf32, #tpu.memory_space<hbm>>
      %dma_start3A_159 = arith.constant 0 : i32
      %dma_start3A_160 = tpu.memref_slice %arg4[%add3A_149, %dma_start3A_159] : memref<425984x32xf32, #tpu.memory_space<hbm>> -> memref<1024x32xf32, #tpu.memory_space<hbm>>
      tpu.enqueue_dma source(%arg7 : memref<1024x32xf32, #tpu.memory_space<vmem>>) target(%dma_start3A_160 : memref<1024x32xf32, #tpu.memory_space<hbm>>) target_semaphore(%run_scoped3A : memref<!tpu.dma_semaphore, #tpu.memory_space<semaphore_mem>>)
      %dma_wait3A_161 = arith.constant 0 : i32
      %dma_wait3A_162 = tpu.memref_slice %arg4[%add3A_149, %dma_wait3A_161] : memref<425984x32xf32, #tpu.memory_space<hbm>> -> memref<1024x32xf32, #tpu.memory_space<hbm>>
      %dma_wait3A_163 = arith.constant 0 : i32
      %dma_wait3A_164 = tpu.memref_slice %arg4[%add3A_149, %dma_wait3A_163] : memref<425984x32xf32, #tpu.memory_space<hbm>> -> memref<1024x32xf32, #tpu.memory_space<hbm>>
      tpu.wait_dma2 semaphore(%run_scoped3A : memref<!tpu.dma_semaphore, #tpu.memory_space<semaphore_mem>>) src(%arg7 : memref<1024x32xf32, #tpu.memory_space<vmem>>) dst(%dma_wait3A_164 : memref<1024x32xf32, #tpu.memory_space<hbm>>)
      tpu.yield
    }) : () -> ()
    %dma_wait3A_150 = arith.constant 12288 : i32
    %dma_wait3A_151 = tpu.memref_slice %arg5[%dma_wait3A_150] : memref<13312xi32, #tpu.memory_space<vmem>> -> memref<1024xi32, #tpu.memory_space<vmem>>
    %dma_wait3A_152 = arith.constant 0 : i32
    %dma_wait3A_153 = arith.constant 0 : i32
    %dma_wait3A_154 = tpu.memref_slice %arg2[%dma_wait3A_152, %dma_wait3A_153] : memref<2768896x32xf32, #tpu.memory_space<hbm>> -> memref<2768896x32xf32, #tpu.memory_space<hbm>>
    tpu.wait_indirect_dma semaphore(%arg8 : memref<!tpu.dma_semaphore, #tpu.memory_space<semaphore_mem>>) src(%dma_wait3A_154 : memref<2768896x32xf32, #tpu.memory_space<hbm>>) dst(%arg6 : memref<1024x32xf32, #tpu.memory_space<vmem>>)
    %add3A_155 = arith.constant 12288 : i32
    %add3A_156 = arith.addi %mul3A_2, %add3A_155 : i32
    "tpu.region"() ({
      %run_scoped3A = tpu.sem_alloc : memref<!tpu.dma_semaphore, #tpu.memory_space<semaphore_mem>>
      %dma_start3A_157 = arith.constant 0 : i32
      %dma_start3A_158 = tpu.memref_slice %arg4[%add3A_156, %dma_start3A_157] : memref<425984x32xf32, #tpu.memory_space<hbm>> -> memref<1024x32xf32, #tpu.memory_space<hbm>>
      %dma_start3A_159 = arith.constant 0 : i32
      %dma_start3A_160 = tpu.memref_slice %arg4[%add3A_156, %dma_start3A_159] : memref<425984x32xf32, #tpu.memory_space<hbm>> -> memref<1024x32xf32, #tpu.memory_space<hbm>>
      tpu.enqueue_dma source(%arg6 : memref<1024x32xf32, #tpu.memory_space<vmem>>) target(%dma_start3A_160 : memref<1024x32xf32, #tpu.memory_space<hbm>>) target_semaphore(%run_scoped3A : memref<!tpu.dma_semaphore, #tpu.memory_space<semaphore_mem>>)
      %dma_wait3A_161 = arith.constant 0 : i32
      %dma_wait3A_162 = tpu.memref_slice %arg4[%add3A_156, %dma_wait3A_161] : memref<425984x32xf32, #tpu.memory_space<hbm>> -> memref<1024x32xf32, #tpu.memory_space<hbm>>
      %dma_wait3A_163 = arith.constant 0 : i32
      %dma_wait3A_164 = tpu.memref_slice %arg4[%add3A_156, %dma_wait3A_163] : memref<425984x32xf32, #tpu.memory_space<hbm>> -> memref<1024x32xf32, #tpu.memory_space<hbm>>
      tpu.wait_dma2 semaphore(%run_scoped3A : memref<!tpu.dma_semaphore, #tpu.memory_space<semaphore_mem>>) src(%arg6 : memref<1024x32xf32, #tpu.memory_space<vmem>>) dst(%dma_wait3A_164 : memref<1024x32xf32, #tpu.memory_space<hbm>>)
      tpu.yield
    }) : () -> ()
    return
  }
}

module attributes {stable_mosaic.version = 14 : i64} {
  func.func @_tr_body(%arg0: i32, %arg1: i32, %arg2: memref<1x32x8192xf32, #tpu.memory_space<vmem>>, %arg3: memref<1x2048x128xf32, #tpu.memory_space<vmem>>) attributes {dimension_semantics = [#tpu.dimension_semantics<arbitrary>, #tpu.dimension_semantics<arbitrary>], iteration_bounds = array<i64: 26, 13>, scalar_prefetch = 0 : i64, scratch_operands = 0 : i64, tpu.core_type = #tpu.core_type<tc>, window_params = [{transform_indices = @transform_0, window_bounds = array<i64: 1, 32, 8192>}, {transform_indices = @transform_1, window_bounds = array<i64: 1, 2048, 128>}]} {
    %get3A = arith.constant 0 : index
    %get3A_0 = arith.constant 0 : index
    %get3A_1 = arith.constant 0 : index
    %get3A_2 = vector.load %arg2[%get3A, %get3A_0, %get3A_1] : memref<1x32x8192xf32, #tpu.memory_space<vmem>>, vector<1x32x8192xf32>
    %get3A_3 = vector.shape_cast %get3A_2 : vector<1x32x8192xf32> to vector<32x8192xf32>
    %slice3A = vector.extract_strided_slice %get3A_3 {offsets = [0, 0], sizes = [32, 2048], strides = [1, 1]} : vector<32x8192xf32> to vector<32x2048xf32>
    %slice3A_4 = vector.extract_strided_slice %get3A_3 {offsets = [0, 2048], sizes = [32, 2048], strides = [1, 1]} : vector<32x8192xf32> to vector<32x2048xf32>
    %slice3A_5 = vector.extract_strided_slice %get3A_3 {offsets = [0, 4096], sizes = [32, 2048], strides = [1, 1]} : vector<32x8192xf32> to vector<32x2048xf32>
    %slice3A_6 = vector.extract_strided_slice %get3A_3 {offsets = [0, 6144], sizes = [32, 2048], strides = [1, 1]} : vector<32x8192xf32> to vector<32x2048xf32>
    %concatenate3A = tpu.concatenate %slice3A, %slice3A_4, %slice3A_5, %slice3A_6 in 0 : vector<32x2048xf32>, vector<32x2048xf32>, vector<32x2048xf32>, vector<32x2048xf32> -> vector<128x2048xf32>
    %iota3A = tpu.iota {dimensions = array<i32: 0>} : vector<128x128xi32>
    %iota3A_7 = tpu.iota {dimensions = array<i32: 1>} : vector<128x128xi32>
    %add3A = arith.constant 0 : i32
    %add3A_8 = vector.broadcast %add3A : i32 to vector<128x128xi32>
    %add3A_9 = arith.addi %iota3A, %add3A_8 : vector<128x128xi32>
    %eq3A = arith.cmpi eq, %add3A_9, %iota3A_7 : vector<128x128xi32>
    %convert_element_type3A = arith.extui %eq3A : vector<128x128xi1> to vector<128x128xi32>
    %convert_element_type3A_10 = arith.sitofp %convert_element_type3A : vector<128x128xi32> to vector<128x128xf32>
    %dot_general3A = arith.constant dense<0.000000e+00> : vector<2048x128xf32>
    %dot_general3A_11 = tpu.matmul %concatenate3A, %convert_element_type3A_10, %dot_general3A {dimension_numbers = #tpu.dot_dimension_numbers<[0], [0], [1], [1], [0, 1, 1, 1], [], []>, transpose_lhs_hint = false} : vector<128x2048xf32>, vector<128x128xf32>, vector<2048x128xf32> -> vector<2048x128xf32>
    %swap3A = arith.constant 0 : index
    %swap3A_12 = arith.constant 0 : index
    %swap3A_13 = arith.constant 0 : index
    %swap3A_14 = vector.load %arg3[%swap3A, %swap3A_12, %swap3A_13] : memref<1x2048x128xf32, #tpu.memory_space<vmem>>, vector<1x2048x128xf32>
    %swap3A_15 = vector.shape_cast %swap3A_14 : vector<1x2048x128xf32> to vector<2048x128xf32>
    %swap3A_16 = vector.shape_cast %dot_general3A_11 : vector<2048x128xf32> to vector<1x2048x128xf32>
    tpu.vector_store %arg3[%swap3A, %swap3A_12, %swap3A_13], %swap3A_16 {strides = array<i32>} : memref<1x2048x128xf32, #tpu.memory_space<vmem>>, vector<1x2048x128xf32>,
    return
  }
  func.func @transform_0(%arg0: i32, %arg1: i32) -> (i32, i32, i32) {
    %c0_i32 = arith.constant 0 : i32
    %c0_i32_0 = arith.constant 0 : i32
    return %arg0, %c0_i32, %arg1 : i32, i32, i32
  }
  func.func @transform_1(%arg0: i32, %arg1: i32) -> (i32, i32, i32) {
    %c0_i32 = arith.constant 0 : i32
    %c0_i32_0 = arith.constant 0 : i32
    return %arg0, %arg1, %c0_i32 : i32, i32, i32
  }
}

module attributes {stable_mosaic.version = 14 : i64} {
  func.func @_bn_body(%arg0: i32, %arg1: i32, %arg2: memref<1024x13xf32, #tpu.memory_space<vmem>>, %arg3: memref<1024x832xf32, #tpu.memory_space<vmem>>, %arg4: memref<2x13xf32, #tpu.memory_space<vmem>>, %arg5: memref<2x832xf32, #tpu.memory_space<vmem>>, %arg6: memref<1024x845xf32, #tpu.memory_space<vmem>>, %arg7: memref<2x13xf32, #tpu.memory_space<vmem>>, %arg8: memref<2x832xf32, #tpu.memory_space<vmem>>, %arg9: memref<2x13xf32, #tpu.memory_space<vmem>>, %arg10: memref<2x832xf32, #tpu.memory_space<vmem>>) attributes {dimension_semantics = [#tpu.dimension_semantics<arbitrary>, #tpu.dimension_semantics<arbitrary>], iteration_bounds = array<i64: 2, 16>, scalar_prefetch = 0 : i64, scratch_operands = 4 : i64, tpu.core_type = #tpu.core_type<tc>, window_params = [{transform_indices = @transform_0, window_bounds = array<i64: 1024, 13>}, {transform_indices = @transform_1, window_bounds = array<i64: 1024, 832>}, {pipeline_mode = #tpu.pipeline_mode<synchronous>, transform_indices = @transform_2, window_bounds = array<i64: 2, 13>}, {pipeline_mode = #tpu.pipeline_mode<synchronous>, transform_indices = @transform_3, window_bounds = array<i64: 2, 832>}, {transform_indices = @transform_4, window_bounds = array<i64: 1024, 845>}]} {
    %eq3A = arith.constant 0 : i32
    %eq3A_0 = arith.cmpi eq, %arg0, %eq3A : i32
    %eq3A_1 = arith.constant 0 : i32
    %eq3A_2 = arith.cmpi eq, %arg1, %eq3A_1 : i32
    %and3A = arith.andi %eq3A_0, %eq3A_2 : i1
    %convert_element_type3A = arith.extui %and3A : i1 to i32
    %cond3A = arith.constant 0 : i32
    %cond3A_3 = arith.cmpi ne, %convert_element_type3A, %cond3A : i32
    scf.if %cond3A_3 {
      %broadcast_in_dim3A = arith.constant 0.000000e+00 : f32
      %broadcast_in_dim3A_22 = vector.broadcast %broadcast_in_dim3A : f32 to vector<2x13xf32>
      %swap3A = arith.constant 0 : index
      %swap3A_23 = arith.constant 0 : index
      %swap3A_24 = vector.load %arg7[%swap3A, %swap3A_23] : memref<2x13xf32, #tpu.memory_space<vmem>>, vector<2x13xf32>
      tpu.vector_store %arg7[%swap3A, %swap3A_23], %broadcast_in_dim3A_22 {strides = array<i32>} : memref<2x13xf32, #tpu.memory_space<vmem>>, vector<2x13xf32>,
      %broadcast_in_dim3A_25 = arith.constant 0.000000e+00 : f32
      %broadcast_in_dim3A_26 = vector.broadcast %broadcast_in_dim3A_25 : f32 to vector<2x832xf32>
      %swap3A_27 = arith.constant 0 : index
      %swap3A_28 = arith.constant 0 : index
      %swap3A_29 = vector.load %arg8[%swap3A_27, %swap3A_28] : memref<2x832xf32, #tpu.memory_space<vmem>>, vector<2x832xf32>
      tpu.vector_store %arg8[%swap3A_27, %swap3A_28], %broadcast_in_dim3A_26 {strides = array<i32>} : memref<2x832xf32, #tpu.memory_space<vmem>>, vector<2x832xf32>,
    } else {
    }
    %eq3A_4 = arith.constant 0 : i32
    %eq3A_5 = arith.cmpi eq, %arg0, %eq3A_4 : i32
    %convert_element_type3A_6 = arith.extui %eq3A_5 : i1 to i32
    %cond3A_7 = arith.constant 0 : i32
    %cond3A_8 = arith.cmpi ne, %convert_element_type3A_6, %cond3A_7 : i32
    scf.if %cond3A_8 {
      %get3A = arith.constant 0 : index
      %get3A_22 = arith.constant 0 : index
      %get3A_23 = vector.load %arg2[%get3A, %get3A_22] : memref<1024x13xf32, #tpu.memory_space<vmem>>, vector<1024x13xf32>
      %get3A_24 = arith.constant 0 : index
      %get3A_25 = arith.constant 0 : index
      %get3A_26 = vector.load %arg3[%get3A_24, %get3A_25] : memref<1024x832xf32, #tpu.memory_space<vmem>>, vector<1024x832xf32>
      %get3A_27 = arith.constant 0 : index
      %get3A_28 = arith.constant 0 : index
      %get3A_29 = vector.load %arg7[%get3A_27, %get3A_28] : memref<2x13xf32, #tpu.memory_space<vmem>>, vector<1x13xf32>
      %reduce_sum3A = arith.constant dense<0.000000e+00> : vector<13xf32>
      %reduce_sum3A_30 = vector.multi_reduction <add>, %get3A_23, %reduce_sum3A [0] : vector<1024x13xf32> to vector<13xf32>
      %broadcast_in_dim3A = vector.shape_cast %reduce_sum3A_30 : vector<13xf32> to vector<1x13xf32>
      %add3A = arith.addf %get3A_29, %broadcast_in_dim3A : vector<1x13xf32>
      %swap3A = arith.constant 0 : index
      %swap3A_31 = arith.constant 0 : index
      %swap3A_32 = vector.load %arg7[%swap3A, %swap3A_31] : memref<2x13xf32, #tpu.memory_space<vmem>>, vector<1x13xf32>
      tpu.vector_store %arg7[%swap3A, %swap3A_31], %add3A {strides = array<i32>} : memref<2x13xf32, #tpu.memory_space<vmem>>, vector<1x13xf32>,
      %get3A_33 = arith.constant 1 : index
      %get3A_34 = arith.constant 0 : index
      %get3A_35 = vector.load %arg7[%get3A_33, %get3A_34] : memref<2x13xf32, #tpu.memory_space<vmem>>, vector<1x13xf32>
      %mul3A = arith.mulf %get3A_23, %get3A_23 : vector<1024x13xf32>
      %reduce_sum3A_36 = arith.constant dense<0.000000e+00> : vector<13xf32>
      %reduce_sum3A_37 = vector.multi_reduction <add>, %mul3A, %reduce_sum3A_36 [0] : vector<1024x13xf32> to vector<13xf32>
      %broadcast_in_dim3A_38 = vector.shape_cast %reduce_sum3A_37 : vector<13xf32> to vector<1x13xf32>
      %add3A_39 = arith.addf %get3A_35, %broadcast_in_dim3A_38 : vector<1x13xf32>
      %swap3A_40 = arith.constant 1 : index
      %swap3A_41 = arith.constant 0 : index
      %swap3A_42 = vector.load %arg7[%swap3A_40, %swap3A_41] : memref<2x13xf32, #tpu.memory_space<vmem>>, vector<1x13xf32>
      tpu.vector_store %arg7[%swap3A_40, %swap3A_41], %add3A_39 {strides = array<i32>} : memref<2x13xf32, #tpu.memory_space<vmem>>, vector<1x13xf32>,
      %get3A_43 = arith.constant 0 : index
      %get3A_44 = arith.constant 0 : index
      %get3A_45 = vector.load %arg8[%get3A_43, %get3A_44] : memref<2x832xf32, #tpu.memory_space<vmem>>, vector<1x832xf32>
      %reduce_sum3A_46 = arith.constant dense<0.000000e+00> : vector<832xf32>
      %reduce_sum3A_47 = vector.multi_reduction <add>, %get3A_26, %reduce_sum3A_46 [0] : vector<1024x832xf32> to vector<832xf32>
      %broadcast_in_dim3A_48 = vector.shape_cast %reduce_sum3A_47 : vector<832xf32> to vector<1x832xf32>
      %add3A_49 = arith.addf %get3A_45, %broadcast_in_dim3A_48 : vector<1x832xf32>
      %swap3A_50 = arith.constant 0 : index
      %swap3A_51 = arith.constant 0 : index
      %swap3A_52 = vector.load %arg8[%swap3A_50, %swap3A_51] : memref<2x832xf32, #tpu.memory_space<vmem>>, vector<1x832xf32>
      tpu.vector_store %arg8[%swap3A_50, %swap3A_51], %add3A_49 {strides = array<i32>} : memref<2x832xf32, #tpu.memory_space<vmem>>, vector<1x832xf32>,
      %get3A_53 = arith.constant 1 : index
      %get3A_54 = arith.constant 0 : index
      %get3A_55 = vector.load %arg8[%get3A_53, %get3A_54] : memref<2x832xf32, #tpu.memory_space<vmem>>, vector<1x832xf32>
      %mul3A_56 = arith.mulf %get3A_26, %get3A_26 : vector<1024x832xf32>
      %reduce_sum3A_57 = arith.constant dense<0.000000e+00> : vector<832xf32>
      %reduce_sum3A_58 = vector.multi_reduction <add>, %mul3A_56, %reduce_sum3A_57 [0] : vector<1024x832xf32> to vector<832xf32>
      %broadcast_in_dim3A_59 = vector.shape_cast %reduce_sum3A_58 : vector<832xf32> to vector<1x832xf32>
      %add3A_60 = arith.addf %get3A_55, %broadcast_in_dim3A_59 : vector<1x832xf32>
      %swap3A_61 = arith.constant 1 : index
      %swap3A_62 = arith.constant 0 : index
      %swap3A_63 = vector.load %arg8[%swap3A_61, %swap3A_62] : memref<2x832xf32, #tpu.memory_space<vmem>>, vector<1x832xf32>
      tpu.vector_store %arg8[%swap3A_61, %swap3A_62], %add3A_60 {strides = array<i32>} : memref<2x832xf32, #tpu.memory_space<vmem>>, vector<1x832xf32>,
    } else {
    }
    %eq3A_9 = arith.constant 1 : i32
    %eq3A_10 = arith.cmpi eq, %arg0, %eq3A_9 : i32
    %eq3A_11 = arith.constant 0 : i32
    %eq3A_12 = arith.cmpi eq, %arg1, %eq3A_11 : i32
    %and3A_13 = arith.andi %eq3A_10, %eq3A_12 : i1
    %convert_element_type3A_14 = arith.extui %and3A_13 : i1 to i32
    %cond3A_15 = arith.constant 0 : i32
    %cond3A_16 = arith.cmpi ne, %convert_element_type3A_14, %cond3A_15 : i32
    scf.if %cond3A_16 {
      %get3A = arith.constant 0 : index
      %get3A_22 = arith.constant 0 : index
      %get3A_23 = vector.load %arg7[%get3A, %get3A_22] : memref<2x13xf32, #tpu.memory_space<vmem>>, vector<1x13xf32>
      %div3A = arith.constant 1.638400e+04 : f32
      %div3A_24 = vector.broadcast %div3A : f32 to vector<1x13xf32>
      %div3A_25 = arith.divf %get3A_23, %div3A_24 : vector<1x13xf32>
      %get3A_26 = arith.constant 1 : index
      %get3A_27 = arith.constant 0 : index
      %get3A_28 = vector.load %arg7[%get3A_26, %get3A_27] : memref<2x13xf32, #tpu.memory_space<vmem>>, vector<1x13xf32>
      %div3A_29 = arith.constant 1.638400e+04 : f32
      %div3A_30 = vector.broadcast %div3A_29 : f32 to vector<1x13xf32>
      %div3A_31 = arith.divf %get3A_28, %div3A_30 : vector<1x13xf32>
      %mul3A = arith.mulf %div3A_25, %div3A_25 : vector<1x13xf32>
      %sub3A = arith.subf %div3A_31, %mul3A : vector<1x13xf32>
      %get3A_32 = arith.constant 0 : index
      %get3A_33 = arith.constant 0 : index
      %get3A_34 = vector.load %arg4[%get3A_32, %get3A_33] : memref<2x13xf32, #tpu.memory_space<vmem>>, vector<1x13xf32>
      %add3A = arith.constant 9.99999974E-6 : f32
      %add3A_35 = vector.broadcast %add3A : f32 to vector<1x13xf32>
      %add3A_36 = arith.addf %sub3A, %add3A_35 : vector<1x13xf32>
      %rsqrt3A = math.rsqrt %add3A_36 : vector<1x13xf32>
      %mul3A_37 = arith.mulf %get3A_34, %rsqrt3A : vector<1x13xf32>
      %swap3A = arith.constant 0 : index
      %swap3A_38 = arith.constant 0 : index
      %swap3A_39 = vector.load %arg9[%swap3A, %swap3A_38] : memref<2x13xf32, #tpu.memory_space<vmem>>, vector<1x13xf32>
      tpu.vector_store %arg9[%swap3A, %swap3A_38], %mul3A_37 {strides = array<i32>} : memref<2x13xf32, #tpu.memory_space<vmem>>, vector<1x13xf32>,
      %get3A_40 = arith.constant 1 : index
      %get3A_41 = arith.constant 0 : index
      %get3A_42 = vector.load %arg4[%get3A_40, %get3A_41] : memref<2x13xf32, #tpu.memory_space<vmem>>, vector<1x13xf32>
      %mul3A_43 = arith.mulf %div3A_25, %mul3A_37 : vector<1x13xf32>
      %sub3A_44 = arith.subf %get3A_42, %mul3A_43 : vector<1x13xf32>
      %swap3A_45 = arith.constant 1 : index
      %swap3A_46 = arith.constant 0 : index
      %swap3A_47 = vector.load %arg9[%swap3A_45, %swap3A_46] : memref<2x13xf32, #tpu.memory_space<vmem>>, vector<1x13xf32>
      tpu.vector_store %arg9[%swap3A_45, %swap3A_46], %sub3A_44 {strides = array<i32>} : memref<2x13xf32, #tpu.memory_space<vmem>>, vector<1x13xf32>,
      %get3A_48 = arith.constant 0 : index
      %get3A_49 = arith.constant 0 : index
      %get3A_50 = vector.load %arg8[%get3A_48, %get3A_49] : memref<2x832xf32, #tpu.memory_space<vmem>>, vector<1x832xf32>
      %div3A_51 = arith.constant 1.638400e+04 : f32
      %div3A_52 = vector.broadcast %div3A_51 : f32 to vector<1x832xf32>
      %div3A_53 = arith.divf %get3A_50, %div3A_52 : vector<1x832xf32>
      %get3A_54 = arith.constant 1 : index
      %get3A_55 = arith.constant 0 : index
      %get3A_56 = vector.load %arg8[%get3A_54, %get3A_55] : memref<2x832xf32, #tpu.memory_space<vmem>>, vector<1x832xf32>
      %div3A_57 = arith.constant 1.638400e+04 : f32
      %div3A_58 = vector.broadcast %div3A_57 : f32 to vector<1x832xf32>
      %div3A_59 = arith.divf %get3A_56, %div3A_58 : vector<1x832xf32>
      %mul3A_60 = arith.mulf %div3A_53, %div3A_53 : vector<1x832xf32>
      %sub3A_61 = arith.subf %div3A_59, %mul3A_60 : vector<1x832xf32>
      %get3A_62 = arith.constant 0 : index
      %get3A_63 = arith.constant 0 : index
      %get3A_64 = vector.load %arg5[%get3A_62, %get3A_63] : memref<2x832xf32, #tpu.memory_space<vmem>>, vector<1x832xf32>
      %add3A_65 = arith.constant 9.99999974E-6 : f32
      %add3A_66 = vector.broadcast %add3A_65 : f32 to vector<1x832xf32>
      %add3A_67 = arith.addf %sub3A_61, %add3A_66 : vector<1x832xf32>
      %rsqrt3A_68 = math.rsqrt %add3A_67 : vector<1x832xf32>
      %mul3A_69 = arith.mulf %get3A_64, %rsqrt3A_68 : vector<1x832xf32>
      %swap3A_70 = arith.constant 0 : index
      %swap3A_71 = arith.constant 0 : index
      %swap3A_72 = vector.load %arg10[%swap3A_70, %swap3A_71] : memref<2x832xf32, #tpu.memory_space<vmem>>, vector<1x832xf32>
      tpu.vector_store %arg10[%swap3A_70, %swap3A_71], %mul3A_69 {strides = array<i32>} : memref<2x832xf32, #tpu.memory_space<vmem>>, vector<1x832xf32>,
      %get3A_73 = arith.constant 1 : index
      %get3A_74 = arith.constant 0 : index
      %get3A_75 = vector.load %arg5[%get3A_73, %get3A_74] : memref<2x832xf32, #tpu.memory_space<vmem>>, vector<1x832xf32>
      %mul3A_76 = arith.mulf %div3A_53, %mul3A_69 : vector<1x832xf32>
      %sub3A_77 = arith.subf %get3A_75, %mul3A_76 : vector<1x832xf32>
      %swap3A_78 = arith.constant 1 : index
      %swap3A_79 = arith.constant 0 : index
      %swap3A_80 = vector.load %arg10[%swap3A_78, %swap3A_79] : memref<2x832xf32, #tpu.memory_space<vmem>>, vector<1x832xf32>
      tpu.vector_store %arg10[%swap3A_78, %swap3A_79], %sub3A_77 {strides = array<i32>} : memref<2x832xf32, #tpu.memory_space<vmem>>, vector<1x832xf32>,
    } else {
    }
    %eq3A_17 = arith.constant 1 : i32
    %eq3A_18 = arith.cmpi eq, %arg0, %eq3A_17 : i32
    %convert_element_type3A_19 = arith.extui %eq3A_18 : i1 to i32
    %cond3A_20 = arith.constant 0 : i32
    %cond3A_21 = arith.cmpi ne, %convert_element_type3A_19, %cond3A_20 : i32
    scf.if %cond3A_21 {
      %get3A = arith.constant 0 : index
      %get3A_22 = arith.constant 0 : index
      %get3A_23 = vector.load %arg2[%get3A, %get3A_22] : memref<1024x13xf32, #tpu.memory_space<vmem>>, vector<1024x13xf32>
      %get3A_24 = arith.constant 0 : index
      %get3A_25 = arith.constant 0 : index
      %get3A_26 = vector.load %arg9[%get3A_24, %get3A_25] : memref<2x13xf32, #tpu.memory_space<vmem>>, vector<1x13xf32>
      %mul3A = vector.broadcast %get3A_26 : vector<1x13xf32> to vector<1024x13xf32>
      %mul3A_27 = arith.mulf %get3A_23, %mul3A : vector<1024x13xf32>
      %get3A_28 = arith.constant 1 : index
      %get3A_29 = arith.constant 0 : index
      %get3A_30 = vector.load %arg9[%get3A_28, %get3A_29] : memref<2x13xf32, #tpu.memory_space<vmem>>, vector<1x13xf32>
      %add3A = vector.broadcast %get3A_30 : vector<1x13xf32> to vector<1024x13xf32>
      %add3A_31 = arith.addf %mul3A_27, %add3A : vector<1024x13xf32>
      %get3A_32 = arith.constant 0 : index
      %get3A_33 = arith.constant 0 : index
      %get3A_34 = vector.load %arg3[%get3A_32, %get3A_33] : memref<1024x832xf32, #tpu.memory_space<vmem>>, vector<1024x832xf32>
      %get3A_35 = arith.constant 0 : index
      %get3A_36 = arith.constant 0 : index
      %get3A_37 = vector.load %arg10[%get3A_35, %get3A_36] : memref<2x832xf32, #tpu.memory_space<vmem>>, vector<1x832xf32>
      %mul3A_38 = vector.broadcast %get3A_37 : vector<1x832xf32> to vector<1024x832xf32>
      %mul3A_39 = arith.mulf %get3A_34, %mul3A_38 : vector<1024x832xf32>
      %get3A_40 = arith.constant 1 : index
      %get3A_41 = arith.constant 0 : index
      %get3A_42 = vector.load %arg10[%get3A_40, %get3A_41] : memref<2x832xf32, #tpu.memory_space<vmem>>, vector<1x832xf32>
      %add3A_43 = vector.broadcast %get3A_42 : vector<1x832xf32> to vector<1024x832xf32>
      %add3A_44 = arith.addf %mul3A_39, %add3A_43 : vector<1024x832xf32>
      %concatenate3A = tpu.concatenate %add3A_31, %add3A_44 in 1 : vector<1024x13xf32>, vector<1024x832xf32> -> vector<1024x845xf32>
      %swap3A = arith.constant 0 : index
      %swap3A_45 = arith.constant 0 : index
      %swap3A_46 = vector.load %arg6[%swap3A, %swap3A_45] : memref<1024x845xf32, #tpu.memory_space<vmem>>, vector<1024x845xf32>
      tpu.vector_store %arg6[%swap3A, %swap3A_45], %concatenate3A {strides = array<i32>} : memref<1024x845xf32, #tpu.memory_space<vmem>>, vector<1024x845xf32>,
    } else {
    }
    return
  }
  func.func @transform_0(%arg0: i32, %arg1: i32) -> (i32, i32) {
    %c0_i32 = arith.constant 0 : i32
    %c0_i32_0 = arith.constant 0 : i32
    return %arg1, %c0_i32 : i32, i32
  }
  func.func @transform_1(%arg0: i32, %arg1: i32) -> (i32, i32) {
    %c0_i32 = arith.constant 0 : i32
    %c0_i32_0 = arith.constant 0 : i32
    return %arg1, %c0_i32 : i32, i32
  }
  func.func @transform_2(%arg0: i32, %arg1: i32) -> (i32, i32) {
    %c0_i32 = arith.constant 0 : i32
    %c0_i32_0 = arith.constant 0 : i32
    %c0_i32_1 = arith.constant 0 : i32
    return %c0_i32, %c0_i32_0 : i32, i32
  }
  func.func @transform_3(%arg0: i32, %arg1: i32) -> (i32, i32) {
    %c0_i32 = arith.constant 0 : i32
    %c0_i32_0 = arith.constant 0 : i32
    %c0_i32_1 = arith.constant 0 : i32
    return %c0_i32, %c0_i32_0 : i32, i32
  }
  func.func @transform_4(%arg0: i32, %arg1: i32) -> (i32, i32) {
    %eq3A = arith.constant 0 : i32
    %eq3A_0 = arith.cmpi eq, %arg0, %eq3A : i32
    %jit3A = arith.constant 0 : i32
    %select_n3A = arith.select %eq3A_0, %jit3A, %arg1 : i32
    %c0_i32 = arith.constant 0 : i32
    %c0_i32_1 = arith.constant 0 : i32
    return %select_n3A, %c0_i32 : i32, i32
  }
}

</mosaic_0001>

<sc_bundles>
// kernel: kernel.5.cloned.1.call-start
scs
__scs_entry_jumppad:
0x0: {  	(pc) =	sbr.rel $0x88, $3  }
0x1: {  	(tag) =	ssettag $0x0;
	lr =	simm.s32 $0x1  }
0x2: {  	[smem:$0x3F9C] =	sst lr;
	_ =	strace $0xD0000000  }
0x3: {  	_ = 	snop  }
0x4: {  	_ = 	snop  }
0x5: {  	_ = 	snop  }
0x6: {  	_ = 	snop  }
0x7: {  	_ = 	snop  }
__scs_overlays_trampoline_lowered:
0x8: {  	[smem:$0x3FAB] =	sst s0  }
0x9: {  	[smem:$0x3FAC] =	sst s1  }
0xa: {  	[smem:$0x3FAD] =	sst s2  }
0xb: {  	[smem:$0x3FAE] =	sst s3  }
0xc: {  	[smem:$0x3FAF] =	sst s4  }
0xd: {  	[smem:$0x3FB0] =	sst s5  }
0xe: {  	[smem:$0x3FB1] =	sst s6  }
0xf: {  	[smem:$0x3FB2] =	sst s7  }
0x10: {  	[smem:$0x3FB3] =	sst s8  }
0x11: {  	[smem:$0x3FB4] =	sst s9;
	s0 =	simm.s32 @!p0 $0x0  }
0x12: {  	s1 =	sld [smem:$0x3F9A];
	s0 =	simm.s32 @p0 $0x1  }
0x13: {  	[smem:$0x3FB5] =	sst s0;
	s0 =	simm.s32 @!p1 $0x0  }
0x14: {  	s2 =	sld [smem:$0x3F99];
	s0 =	simm.s32 @p1 $0x1  }
0x15: {  	[smem:$0x3FB6] =	sst s0;
	s0 =	simm.s32 @!p2 $0x0  }
0x16: {  	s3 =	sld [smem:$0x3FDB];
	s0 =	simm.s32 @p2 $0x1  }
0x17: {  	s4 =	simm.s32 $0x1BF5;
	[smem:$0x3FB8] =	sst s0  }
0x18: {  	s0 =	sld [smem:$0x3F9B];
	_ =	swait.ge [sflag:s4], $0x0  }
0x19: {  	s7 =	sld [smem:$0x3F9C]  }
0x1a: {  	s8 =	sadd.s32 $0xFFFFE003, lr  }
0x1b: {  	s9 =	sadd.s32 $0xFFFFFEF7, lr;
	s5 =	simm.s32 $0xFFFFFFFF;
	p2 =	slt.u32 s8, $0xFFFFF086  }
0x1c: {  	p1 =	slt.u32 s9, $0xF7A;
	s5 =	simm.s32 @!p2 $0x0  }
0x1d: {  	s5 =	simm.s32 @p1 $0x1;
	p0 =	seq.s32 s7, s2  }
0x1e: {  	s7 =	smul.u32 @!p0 $0xF7A, s2;
	p2 =	seq.s32 @!p0 s5, $0x0  }
0x1f: {  	s9 =	smul.u32 $0xF7A, s1;
	s8 =	simm.s32 @!p0 $0x1BF5;
	p2 =	por !p2, p0  }
0x20: {  	[sflag:s8] =	ssyncset.s32 @!p0 $0xFFFFF086;
	s6 =	sadd.s32 @!p0 s3, s7;
	s7 =	simm.s32 @!p0 $0x108  }
0x21: {  	s3 =	sadd.s32 s3, s9;
	s6 =	sadd.s32 @!p0 $0x88, s6;
	s7 =	simm.s32 @p2 $0x1082  }
0x22: {  	[simem:s7], [sflag:s8] =	dma.local @!p0 [hbm:s6], $0xF7A  }
0x23: {  	s9 =	sor.u32 $0xD0000000, s2;
	s6 =	simm.s32 $0x108;
	_ =	swait.ge @!p0 [sflag:s8], $0x0  }
0x24: {  	s3 =	sadd.s32 $0x88, s3;
	s6 =	simm.s32 @!p1 $0x1082;
	[sflag:s4] =	ssyncset.s32 $0xFFFFF086  }
0x25: {  	[simem:s6], [sflag:s4] =	dma.local [hbm:s3], $0xF7A  }
0x26: {  	[smem:$0x3F9C] =	sst s1;
	(tag) =	ssettag s2;
	_ =	strace s9  }
0x27: {  	s1 =	sld [smem:$0x3FAC]  }
0x28: {  	s2 =	sld [smem:$0x3FAD]  }
0x29: {  	s4 =	sld [smem:$0x3FAF]  }
0x2a: {  	p0 =	seq.s32 s5, $0x0;
	s5 =	sld [smem:$0x3FB0]  }
0x2b: {  	s6 =	sld [smem:$0x3FB1]  }
0x2c: {  	s7 =	sld [smem:$0x3FB2]  }
0x2d: {  	s3 =	simm.s32 $0x108;
	s8 =	sld [smem:$0x3FB3]  }
0x2e: {  	s3 =	simm.s32 @!p0 $0x1082;
	s9 =	sld [smem:$0x3FB4]  }
0x2f: {  	lr =	sadd.s32 s0, s3;
	s0 =	sld [smem:$0x3FAB]  }
0x30: {  	s3 =	sld [smem:$0x3FAE]  }
0x31: {  	[smem:$0x3FB7] =	sst s10  }
0x32: {  	s10 =	sld [smem:$0x3FB5];
	_ =	sdelay $0x3  }
0x33: {  	p0 =	seq.s32 s10, $0x1;
	s10 =	sld [smem:$0x3FB7];
	_ =	sdelay $0x3  }
0x34: {  	[smem:$0x3FB7] =	sst s10  }
0x35: {  	s10 =	sld [smem:$0x3FB6];
	_ =	sdelay $0x3  }
0x36: {  	p1 =	seq.s32 s10, $0x1;
	s10 =	sld [smem:$0x3FB7];
	_ =	sdelay $0x3  }
0x37: {  	[smem:$0x3FB7] =	sst s10  }
0x38: {  	s10 =	sld [smem:$0x3FB8]  }
0x39: {  	_ = 	snop;
	(pc) =	sbr.ind lr, $3  }
0x3a: {  	_ = 	snop  }
0x3b: {  	_ = 	snop  }
0x3c: {  	p2 =	seq.s32 s10, $0x1;
	s10 =	sld [smem:$0x3FB7]  }
0x3d: {  	_ =	shalt  }
0x3e: {  	_ =	shalt  }
0x3f: {  	_ =	shalt  }
0x40: {  	_ =	shalt  }
0x41: {  	_ =	shalt  }
0x42: {  	_ =	shalt  }
0x43: {  	_ =	shalt  }
0x44: {  	_ =	shalt  }
0x45: {  	_ =	shalt  }
0x46: {  	_ =	shalt  }
0x47: {  	_ =	shalt  }
0x48: {  	_ =	shalt  }
0x49: {  	_ =	shalt  }
0x4a: {  	_ =	shalt  }
0x4b: {  	_ =	shalt  }
0x4c: {  	_ =	shalt  }
0x4d: {  	_ =	shalt  }
0x4e: {  	_ =	shalt  }
0x4f: {  	_ =	shalt  }
0x50: {  	_ =	shalt  }
0x51: {  	_ =	shalt  }
0x52: {  	_ =	shalt  }
0x53: {  	_ =	shalt  }
0x54: {  	_ =	shalt  }
0x55: {  	_ =	shalt  }
0x56: {  	_ =	shalt  }
0x57: {  	_ =	shalt  }
0x58: {  	_ =	shalt  }
0x59: {  	_ =	shalt  }
0x5a: {  	_ =	shalt  }
0x5b: {  	_ =	shalt  }
0x5c: {  	_ =	shalt  }
0x5d: {  	_ =	shalt  }
0x5e: {  	_ =	shalt  }
0x5f: {  	_ =	shalt  }
0x60: {  	_ =	shalt  }
0x61: {  	_ =	shalt  }
0x62: {  	_ =	shalt  }
0x63: {  	_ =	shalt  }
0x64: {  	_ =	shalt  }
0x65: {  	_ =	shalt  }
0x66: {  	_ =	shalt  }
0x67: {  	_ =	shalt  }
0x68: {  	_ =	shalt  }
0x69: {  	_ =	shalt  }
0x6a: {  	_ =	shalt  }
0x6b: {  	_ =	shalt  }
0x6c: {  	_ =	shalt  }
0x6d: {  	_ =	shalt  }
0x6e: {  	_ =	shalt  }
0x6f: {  	_ =	shalt  }
0x70: {  	_ =	shalt  }
0x71: {  	_ =	shalt  }
0x72: {  	_ =	shalt  }
0x73: {  	_ =	shalt  }
0x74: {  	_ =	shalt  }
0x75: {  	_ =	shalt  }
0x76: {  	_ =	shalt  }
0x77: {  	_ =	shalt  }
0x78: {  	_ =	shalt  }
0x79: {  	_ =	shalt  }
0x7a: {  	_ =	shalt  }
0x7b: {  	_ =	shalt  }
0x7c: {  	_ =	shalt  }
0x7d: {  	_ =	shalt  }
0x7e: {  	_ =	shalt  }
0x7f: {  	_ =	shalt  }
0x80: {  	_ =	shalt  }
0x81: {  	_ =	shalt  }
0x82: {  	_ =	shalt  }
0x83: {  	_ =	shalt  }
0x84: {  	_ =	shalt  }
0x85: {  	_ =	shalt  }
0x86: {  	_ =	shalt  }
0x87: {  	_ =	shalt  }
.Lfunc_end0:
.L_simem_size_0:
called_computation_lowered:
.L_overlay_start_0:
0x88: {  	s2 =	sld [smem:$0x3FD9]  }
0x89: {  	s3 =	sld [smem:$0x3FFE];
	_ =	sdelay $0x1  }
0x8a: {  	s1 =	srdreg.scid  }
0x8b: {  	s0 =	sand.u32 $0x1, s1  }
0x8c: {  	s17 =	sshll.u32 s0, $0xA;
	s2 =	sadd.s32 s3, s2  }
0x8d: {  	s2 =	sadd.s32 s2, s17  }
0x8e: {  	[smem:$0x3FC3] =	sst s2  }
0x8f: {  	_ = 	snop  }
0x90: {  	s2 =	sld [smem:$0x3FD0];
	(tm) =	ssettm $0x1  }
0x91: {  	s18 =	sld [smem:$0x3FFB];
	_ =	sdelay $0x3  }
0x92: {  	_ =	strace s18  }
0x93: {  	s3 =	sld [smem:$0x3FFC];
	_ =	sdelay $0x3  }
0x94: {  	_ =	strace s3  }
0x95: {  	s3 =	sld [smem:$0x3FFD];
	_ =	sdelay $0x3  }
0x96: {  	_ =	strace s3  }
0x97: {  	_ =	strace $0x8FFFFFFF  }
0x98: {  	s19 =	sld [smem:$0x3FDB];
	_ =	sdelay $0x1  }
0x99: {  	s4 =	simm.s32 $_scs_section_size  }
0x9a: {  	s5 =	simm.s32 $_size__tile_overlayer_lowered;
	s6 =	simm.s32 $_tile_overlayer_lowered  }
0x9b: {  	s22 =	simm.s32 $0x1BFF;
	s21 =	sshll.u32 s6, $0x1;
	s3 =	sadd.s32 s4, s19  }
0x9c: {  	s7 =	simm.s32 $0x0;
	s20 =	sshll.u32 s5, $0x1;
	s5 =	sadd.s32 s21, s3  }
0x9d: {  	[timem:s7], [sflag:s22] =	dma.local [hbm:s5], s20  }
0x9e: {  	_ =	swait.ge [sflag:s22], s20  }
0x9f: {  	s4 =	ssub.s32 $0x0, s20;
	[sflag:s22] =	ssyncset.done $0x0  }
0xa0: {  	[sflag:s22] =	ssyncadd.s32 s4;
	_ =	sdelay $0x1  }
0xa1: {  	s23 =	simm.s32 $0x1B8B  }
0xa2: {  	_ =	swait.ge [sflag:s23], $0x1  }
0xa3: {  	[sflag:s23] =	ssyncset.done $0x0  }
0xa4: {  	s25 =	simm.s32 $0x1B8E;
	s24 =	sld [smem:$0x3FFE];
	[sflag:s23] =	ssyncadd.s32 $0xFFFFFFFF  }
0xa5: {  	s26 =	simm.s32 $execute0_lowered;
	[smem:$0x3FD2] =	sst s25  }
0xa6: {  	s5 =	sshll.u32 s26, $0x1;
	_ =	strace $0x80000046;
	[dreg:$0x1] =	wrdreg $0xFFFFFFFF  }
0xa7: {  	s28 =	simm.s32 $_size_execute0_lowered;
	s3 =	sadd.s32 s3, s5;
	[dreg:$0x0] =	wrdreg $0x0  }
0xa8: {  	s5 =	sshll.u32 s28, $0x1;
	[dreg:$0x2] =	wrdreg s3  }
0xa9: {  	[dreg:$0x3] =	wrdreg s5  }
0xaa: {  	[dreg:$0x4] =	wrdreg $0xC0  }
0xab: {  	_ =	task [dreg:s7], $0x5FFFF  }
0xac: {  	[dreg:$0x1] =	wrdreg $0xFFFFFFFF  }
0xad: {  	[dreg:$0x0] =	wrdreg $0x60  }
0xae: {  	[dreg:$0x2] =	wrdreg s24  }
0xaf: {  	[dreg:$0x3] =	wrdreg s2  }
0xb0: {  	[dreg:$0x4] =	wrdreg $0x9  }
0xb1: {  	_ =	task.clear_ibuf [dreg:s7], $0x5FFFF;
	_ =	strace $0x90000046  }
0xb2: {  	s29 =	simm.s32 $0x9;
	_ =	strace $0x80000048  }
0xb3: {  	_ =	swait.ge [sflag:s29], $0x1  }
0xb4: {  	[sflag:s29] =	ssyncadd.s32 $0xFFFFFFFF  }
0xb5: {  	_ =	strace $0x90000048  }
0xb6: {  	_ =	sfence  }
0xb7: {  	s30 =	sld [smem:$0x0];
	_ =	sdelay $0x2  }
0xb8: {  	s31 =	sshll.u32 s1, $0xD;
	s1 =	sshrl.u32 s1, $0x2  }
0xb9: {  	s3 =	sand.u32 $0x4000, s31;
	s1 =	sadd.s32 s1, s30  }
0xba: {  	s0 =	sor.u32 s3, s0;
	s1 =	sshll.u32 s1, $0x11  }
0xbb: {  	s0 =	sor.u32 s1, s0  }
0xbc: {  	s0 =	sadd.s32 $0x8F2B, s0  }
0xbd: {  	[sflag:s0] =	ssyncadd.remote.s32 $0x1  }
0xbe: {  	_ =	sfence.sel $0xFFFF  }
0xbf: {  	[dreg:$0x0] =	wrdreg $0xFFFFFFFF;
	(pc) =	sbr.abs _section_cstart, $3  }
0xc0: {  	[dreg:$0x1] =	wrdreg $0xFFFFFFFF  }
0xc1: {  	_ =	task.clear_ibuf [dreg:s7], $0x2FFFF;
	_ =	strace $0x9FFFFFFF  }
0xc2: {  	(tm) =	ssettm $0x7FFFFFFF  }
0xc3: {  	_ =	shalt  }
tec
execute0_lowered:
.L_overlay_start_1:
0x0: {  	(tag) =	ssettag $0x1  }
0x1: {  	s1 =	srdreg.scid;
	s0 =	stileid.u32  }
0x2: {  	s1 =	sand.u32 $0x1, s1;
	s2 =	sshll.u32 s0, $0x1  }
0x3: {  	s3 =	sor.u32 s1, s2  }
0x4: {  	s4 =	rddreg [dreg:$0x0];
	s6 =	smul.u32 $0x680, s3  }
0x5: {  	s5 =	rddreg [dreg:$0x1];
	s2 =	simm.s32 $0x0;
	s7 =	smul.u32 $0xD000, s3  }
0x6: {  	[smem:$0x7FF] =	sst s2;
	s3 =	smul.u32 $0x68000, s3  }
0x7: {  	_ =	strace $0x80000047;
	s6 =	sadd.s32 s6, s4;
	s24 =	sadd.s32 s5, s7  }
0x8: {  	s3 =	sshrl.u32 s3, $0x3;
	s6 =	sadd.s32 $0xA90E00, s6;
	[dreg:$0x4] =	wrdreg s24  }
0x9: {  	s31 =	sadd.s32 s5, s3;
	[dreg:$0x3] =	wrdreg s6  }
0xa: {  	s3 =	sadd.s32 $0x1000, s31;
	s25 =	rddreg [dreg:$0x3]  }
0xb: {  	s26 =	sadd.s32 $0x2000, s31;
	[dreg:$0x5] =	wrdreg s3  }
0xc: {  	[dreg:$0x6] =	wrdreg s26;
	s3 =	simm.s32 $0x3  }
0xd: {  	[tilespmem:s2], [sflag:$0x3] =	stream.linear.gather [hbm4b:s25+s2], $0x3400, $0x38;
	[tilespmem:$0x13400] =	vst v63  }
0xe: {  	_ =	swait.ge [sflag:s3], $0x3400  }
0xf: {  	s4 =	sadd.s32 $0xE00, s4;
	[sflag:s3] =	ssyncset.done $0x0  }
0x10: {  	s5 =	simm.s32 $0x400;
	s6 =	simm.s32 $0x3400;
	[sflag:s3] =	ssyncadd.s32 $0xFFFFCC00  }
0x11: {  	[tilespmem:s6], [sflag:$0x1] =	stream.indirect.gather [hbm4b:s4+s5], $0x20, s2, s5, $0xb8;
	[tilespmem:$0x13400] =	vst v63  }
0x12: {  	s8 =	simm.s32 $0x1;
	s7 =	simm.s32 $0xB400  }
0x13: {  	[tilespmem:s7], [sflag:$0x2] =	stream.indirect.gather [hbm4b:s4+s5], $0x20, s5, s5, $0xb8;
	[tilespmem:$0x13400] =	vst v63  }
0x14: {  	_ =	swait.ge [sflag:s8], $0x8000  }
0x15: {  	[sflag:s8] =	ssyncset.done $0x0  }
0x16: {  	s9 =	rddreg [dreg:$0x4];
	[sflag:s8] =	ssyncadd.s32 $0xFFFF8000  }
0x17: {  	[hbm4b:s9+s2] =	stream.linear.scatter [tilespmem:s6], [sflag:$0x3], $0x8000, $0x38;
	[tilespmem:$0x13400] =	vst v63  }
0x18: {  	_ =	swait.ge [sflag:s3], $0x8000  }
0x19: {  	[sflag:s3] =	ssyncset.done $0x0  }
0x1a: {  	s10 =	simm.s32 $0x2;
	s9 =	simm.s32 $0x800;
	[sflag:s3] =	ssyncadd.s32 $0xFFFF8000  }
0x1b: {  	[tilespmem:s6], [sflag:$0x1] =	stream.indirect.gather [hbm4b:s4+s5], $0x20, s9, s5, $0xb8;
	[tilespmem:$0x13400] =	vst v63  }
0x1c: {  	_ =	swait.ge [sflag:s10], $0x8000  }
0x1d: {  	[sflag:s10] =	ssyncset.done $0x0  }
0x1e: {  	s11 =	rddreg [dreg:$0x5];
	[sflag:s10] =	ssyncadd.s32 $0xFFFF8000  }
0x1f: {  	[hbm4b:s11+s2] =	stream.linear.scatter [tilespmem:s7], [sflag:$0x3], $0x8000, $0x38;
	[tilespmem:$0x13400] =	vst v63  }
0x20: {  	_ =	swait.ge [sflag:s3], $0x8000  }
0x21: {  	[sflag:s3] =	ssyncset.done $0x0  }
0x22: {  	s11 =	simm.s32 $0xC00;
	[sflag:s3] =	ssyncadd.s32 $0xFFFF8000  }
0x23: {  	[tilespmem:s7], [sflag:$0x2] =	stream.indirect.gather [hbm4b:s4+s5], $0x20, s11, s5, $0xb8;
	[tilespmem:$0x13400] =	vst v63  }
0x24: {  	_ =	swait.ge [sflag:s8], $0x8000  }
0x25: {  	[sflag:s8] =	ssyncset.done $0x0  }
0x26: {  	s12 =	rddreg [dreg:$0x6];
	[sflag:s8] =	ssyncadd.s32 $0xFFFF8000  }
0x27: {  	[hbm4b:s12+s2] =	stream.linear.scatter [tilespmem:s6], [sflag:$0x3], $0x8000, $0x38;
	[tilespmem:$0x13400] =	vst v63  }
0x28: {  	_ =	swait.ge [sflag:s3], $0x8000  }
0x29: {  	[sflag:s3] =	ssyncset.done $0x0  }
0x2a: {  	s12 =	simm.s32 $0x1000;
	[sflag:s3] =	ssyncadd.s32 $0xFFFF8000  }
0x2b: {  	[tilespmem:s6], [sflag:$0x1] =	stream.indirect.gather [hbm4b:s4+s5], $0x20, s12, s5, $0xb8;
	[tilespmem:$0x13400] =	vst v63  }
0x2c: {  	_ =	swait.ge [sflag:s10], $0x8000  }
0x2d: {  	[sflag:s10] =	ssyncset.done $0x0  }
0x2e: {  	s13 =	sadd.s32 $0x3000, s31;
	[sflag:s10] =	ssyncadd.s32 $0xFFFF8000  }
0x2f: {  	[hbm4b:s13+s2] =	stream.linear.scatter [tilespmem:s7], [sflag:$0x3], $0x8000, $0x38;
	[tilespmem:$0x13400] =	vst v63  }
0x30: {  	_ =	swait.ge [sflag:s3], $0x8000  }
0x31: {  	[sflag:s3] =	ssyncset.done $0x0  }
0x32: {  	s14 =	simm.s32 $0x1400;
	[sflag:s3] =	ssyncadd.s32 $0xFFFF8000  }
0x33: {  	[tilespmem:s7], [sflag:$0x2] =	stream.indirect.gather [hbm4b:s4+s5], $0x20, s14, s5, $0xb8;
	[tilespmem:$0x13400] =	vst v63  }
0x34: {  	_ =	swait.ge [sflag:s8], $0x8000  }
0x35: {  	[sflag:s8] =	ssyncset.done $0x0  }
0x36: {  	s15 =	sadd.s32 $0x4000, s31;
	[sflag:s8] =	ssyncadd.s32 $0xFFFF8000  }
0x37: {  	[hbm4b:s15+s2] =	stream.linear.scatter [tilespmem:s6], [sflag:$0x3], $0x8000, $0x38;
	[tilespmem:$0x13400] =	vst v63  }
0x38: {  	_ =	swait.ge [sflag:s3], $0x8000  }
0x39: {  	[sflag:s3] =	ssyncset.done $0x0  }
0x3a: {  	s16 =	simm.s32 $0x1800;
	[sflag:s3] =	ssyncadd.s32 $0xFFFF8000  }
0x3b: {  	[tilespmem:s6], [sflag:$0x1] =	stream.indirect.gather [hbm4b:s4+s5], $0x20, s16, s5, $0xb8;
	[tilespmem:$0x13400] =	vst v63  }
0x3c: {  	_ =	swait.ge [sflag:s10], $0x8000  }
0x3d: {  	[sflag:s10] =	ssyncset.done $0x0  }
0x3e: {  	s17 =	sadd.s32 $0x5000, s31;
	[sflag:s10] =	ssyncadd.s32 $0xFFFF8000  }
0x3f: {  	[hbm4b:s17+s2] =	stream.linear.scatter [tilespmem:s7], [sflag:$0x3], $0x8000, $0x38;
	[tilespmem:$0x13400] =	vst v63  }
0x40: {  	_ =	swait.ge [sflag:s3], $0x8000  }
0x41: {  	[sflag:s3] =	ssyncset.done $0x0  }
0x42: {  	s18 =	simm.s32 $0x1C00;
	[sflag:s3] =	ssyncadd.s32 $0xFFFF8000  }
0x43: {  	[tilespmem:s7], [sflag:$0x2] =	stream.indirect.gather [hbm4b:s4+s5], $0x20, s18, s5, $0xb8;
	[tilespmem:$0x13400] =	vst v63  }
0x44: {  	_ =	swait.ge [sflag:s8], $0x8000  }
0x45: {  	[sflag:s8] =	ssyncset.done $0x0  }
0x46: {  	s19 =	sadd.s32 $0x6000, s31;
	[sflag:s8] =	ssyncadd.s32 $0xFFFF8000  }
0x47: {  	[hbm4b:s19+s2] =	stream.linear.scatter [tilespmem:s6], [sflag:$0x3], $0x8000, $0x38;
	[tilespmem:$0x13400] =	vst v63  }
0x48: {  	_ =	swait.ge [sflag:s3], $0x8000  }
0x49: {  	[sflag:s3] =	ssyncset.done $0x0  }
0x4a: {  	s20 =	simm.s32 $0x2000;
	[sflag:s3] =	ssyncadd.s32 $0xFFFF8000  }
0x4b: {  	[tilespmem:s6], [sflag:$0x1] =	stream.indirect.gather [hbm4b:s4+s5], $0x20, s20, s5, $0xb8;
	[tilespmem:$0x13400] =	vst v63  }
0x4c: {  	_ =	swait.ge [sflag:s10], $0x8000  }
0x4d: {  	[sflag:s10] =	ssyncset.done $0x0  }
0x4e: {  	s21 =	sadd.s32 $0x7000, s31;
	[sflag:s10] =	ssyncadd.s32 $0xFFFF8000  }
0x4f: {  	[hbm4b:s21+s2] =	stream.linear.scatter [tilespmem:s7], [sflag:$0x3], $0x8000, $0x38;
	[tilespmem:$0x13400] =	vst v63  }
0x50: {  	_ =	swait.ge [sflag:s3], $0x8000  }
0x51: {  	[sflag:s3] =	ssyncset.done $0x0  }
0x52: {  	s22 =	simm.s32 $0x2400;
	[sflag:s3] =	ssyncadd.s32 $0xFFFF8000  }
0x53: {  	[tilespmem:s7], [sflag:$0x2] =	stream.indirect.gather [hbm4b:s4+s5], $0x20, s22, s5, $0xb8;
	[tilespmem:$0x13400] =	vst v63  }
0x54: {  	_ =	swait.ge [sflag:s8], $0x8000  }
0x55: {  	[sflag:s8] =	ssyncset.done $0x0  }
0x56: {  	s23 =	sadd.s32 $0x8000, s31;
	[sflag:s8] =	ssyncadd.s32 $0xFFFF8000  }
0x57: {  	[hbm4b:s23+s2] =	stream.linear.scatter [tilespmem:s6], [sflag:$0x3], $0x8000, $0x38;
	[tilespmem:$0x13400] =	vst v63  }
0x58: {  	_ =	swait.ge [sflag:s3], $0x8000  }
0x59: {  	[sflag:s3] =	ssyncset.done $0x0  }
0x5a: {  	s24 =	simm.s32 $0x2800;
	[sflag:s3] =	ssyncadd.s32 $0xFFFF8000  }
0x5b: {  	[tilespmem:s6], [sflag:$0x1] =	stream.indirect.gather [hbm4b:s4+s5], $0x20, s24, s5, $0xb8;
	[tilespmem:$0x13400] =	vst v63  }
0x5c: {  	_ =	swait.ge [sflag:s10], $0x8000  }
0x5d: {  	[sflag:s10] =	ssyncset.done $0x0  }
0x5e: {  	s25 =	sadd.s32 $0x9000, s31;
	[sflag:s10] =	ssyncadd.s32 $0xFFFF8000  }
0x5f: {  	[hbm4b:s25+s2] =	stream.linear.scatter [tilespmem:s7], [sflag:$0x3], $0x8000, $0x38;
	[tilespmem:$0x13400] =	vst v63  }
0x60: {  	_ =	swait.ge [sflag:s3], $0x8000  }
0x61: {  	[sflag:s3] =	ssyncset.done $0x0  }
0x62: {  	s26 =	simm.s32 $0x2C00;
	[sflag:s3] =	ssyncadd.s32 $0xFFFF8000  }
0x63: {  	[tilespmem:s7], [sflag:$0x2] =	stream.indirect.gather [hbm4b:s4+s5], $0x20, s26, s5, $0xb8;
	[tilespmem:$0x13400] =	vst v63  }
0x64: {  	_ =	swait.ge [sflag:s8], $0x8000  }
0x65: {  	[sflag:s8] =	ssyncset.done $0x0  }
0x66: {  	s28 =	sadd.s32 $0xA000, s31;
	[sflag:s8] =	ssyncadd.s32 $0xFFFF8000  }
0x67: {  	[hbm4b:s28+s2] =	stream.linear.scatter [tilespmem:s6], [sflag:$0x3], $0x8000, $0x38;
	[tilespmem:$0x13400] =	vst v63  }
0x68: {  	_ =	swait.ge [sflag:s3], $0x8000  }
0x69: {  	[sflag:s3] =	ssyncset.done $0x0  }
0x6a: {  	s29 =	simm.s32 $0x3000;
	[sflag:s3] =	ssyncadd.s32 $0xFFFF8000  }
0x6b: {  	[tilespmem:s6], [sflag:$0x1] =	stream.indirect.gather [hbm4b:s4+s5], $0x20, s29, s5, $0xb8;
	[tilespmem:$0x13400] =	vst v63  }
0x6c: {  	_ =	swait.ge [sflag:s10], $0x8000  }
0x6d: {  	s1 =	ssub.s32 $0x2, s1;
	[sflag:s10] =	ssyncset.done $0x0  }
0x6e: {  	s0 =	sshrl.u32 s1, $0x1;
	s30 =	sadd.s32 $0xB000, s31;
	[sflag:s10] =	ssyncadd.s32 $0xFFFF8000  }
0x6f: {  	[hbm4b:s30+s2] =	stream.linear.scatter [tilespmem:s7], [sflag:$0x3], $0x8000, $0x38;
	[tilespmem:$0x13400] =	vst v63  }
0x70: {  	s0 =	ssub.s32 s1, s0;
	_ =	swait.ge [sflag:s3], $0x8000  }
0x71: {  	s0 =	smax.u32 s0, $0x1;
	[sflag:s3] =	ssyncset.done $0x0  }
0x72: {  	p0 =	sne.s32 s0, $0x1;
	[sflag:s3] =	ssyncadd.s32 $0xFFFF8000  }
.Ltmp0:
0x73: {  	_ =	swait.ge [sflag:s8], $0x8000;
	(pc) =	sbr.rel @!p0 .LBB2_2-.Ltmp0, $4  }
0x74: {  	[sflag:s8] =	ssyncset.done $0x0  }
0x75: {  	s31 =	sadd.s32 $0xC000, s31;
	[sflag:s8] =	ssyncadd.s32 $0xFFFF8000  }
0x76: {  	[hbm4b:s31+s2] =	stream.linear.scatter [tilespmem:s6], [sflag:$0x3], $0x8000, $0x38;
	[tilespmem:$0x13400] =	vst v63  }
0x77: {  	s1 =	sadd.s32 $0xFFFFFFFF, s0;
	_ =	swait.ge [sflag:s3], $0x8000  }
.LBB2_1:
0x78: {  	[sflag:s3] =	ssyncset.done $0x0  }
0x79: {  	s0 =	rddreg [dreg:$0x3];
	[sflag:s3] =	ssyncadd.s32 $0xFFFF8000  }
0x7a: {  	[tilespmem:s2], [sflag:$0x3] =	stream.linear.gather [hbm4b:s0+s2], $0x3400, $0x38;
	[tilespmem:$0x13400] =	vst v63  }
0x7b: {  	_ =	swait.ge [sflag:s3], $0x3400  }
0x7c: {  	[sflag:s3] =	ssyncset.done $0x0  }
0x7d: {  	[sflag:s3] =	ssyncadd.s32 $0xFFFFCC00  }
0x7e: {  	[tilespmem:s6], [sflag:$0x1] =	stream.indirect.gather [hbm4b:s4+s5], $0x20, s2, s5, $0xb8;
	[tilespmem:$0x13400] =	vst v63  }
0x7f: {  	_ = 	snop  }
0x80: {  	[tilespmem:s7], [sflag:$0x2] =	stream.indirect.gather [hbm4b:s4+s5], $0x20, s5, s5, $0xb8;
	[tilespmem:$0x13400] =	vst v63  }
0x81: {  	_ =	swait.ge [sflag:s8], $0x8000  }
0x82: {  	[sflag:s8] =	ssyncset.done $0x0  }
0x83: {  	s0 =	rddreg [dreg:$0x4];
	[sflag:s8] =	ssyncadd.s32 $0xFFFF8000  }
0x84: {  	[hbm4b:s0+s2] =	stream.linear.scatter [tilespmem:s6], [sflag:$0x3], $0x8000, $0x38;
	[tilespmem:$0x13400] =	vst v63  }
0x85: {  	_ =	swait.ge [sflag:s3], $0x8000  }
0x86: {  	[sflag:s3] =	ssyncset.done $0x0  }
0x87: {  	[sflag:s3] =	ssyncadd.s32 $0xFFFF8000  }
0x88: {  	[tilespmem:s6], [sflag:$0x1] =	stream.indirect.gather [hbm4b:s4+s5], $0x20, s9, s5, $0xb8;
	[tilespmem:$0x13400] =	vst v63  }
0x89: {  	_ =	swait.ge [sflag:s10], $0x8000  }
0x8a: {  	[sflag:s10] =	ssyncset.done $0x0  }
0x8b: {  	s0 =	rddreg [dreg:$0x5];
	[sflag:s10] =	ssyncadd.s32 $0xFFFF8000  }
0x8c: {  	[hbm4b:s0+s2] =	stream.linear.scatter [tilespmem:s7], [sflag:$0x3], $0x8000, $0x38;
	[tilespmem:$0x13400] =	vst v63  }
0x8d: {  	_ =	swait.ge [sflag:s3], $0x8000  }
0x8e: {  	[sflag:s3] =	ssyncset.done $0x0  }
0x8f: {  	[sflag:s3] =	ssyncadd.s32 $0xFFFF8000  }
0x90: {  	[tilespmem:s7], [sflag:$0x2] =	stream.indirect.gather [hbm4b:s4+s5], $0x20, s11, s5, $0xb8;
	[tilespmem:$0x13400] =	vst v63  }
0x91: {  	_ =	swait.ge [sflag:s8], $0x8000  }
0x92: {  	[sflag:s8] =	ssyncset.done $0x0  }
0x93: {  	s0 =	rddreg [dreg:$0x6];
	[sflag:s8] =	ssyncadd.s32 $0xFFFF8000  }
0x94: {  	[hbm4b:s0+s2] =	stream.linear.scatter [tilespmem:s6], [sflag:$0x3], $0x8000, $0x38;
	[tilespmem:$0x13400] =	vst v63  }
0x95: {  	_ =	swait.ge [sflag:s3], $0x8000  }
0x96: {  	[sflag:s3] =	ssyncset.done $0x0  }
0x97: {  	[sflag:s3] =	ssyncadd.s32 $0xFFFF8000  }
0x98: {  	[tilespmem:s6], [sflag:$0x1] =	stream.indirect.gather [hbm4b:s4+s5], $0x20, s12, s5, $0xb8;
	[tilespmem:$0x13400] =	vst v63  }
0x99: {  	_ =	swait.ge [sflag:s10], $0x8000  }
0x9a: {  	[sflag:s10] =	ssyncset.done $0x0  }
0x9b: {  	[sflag:s10] =	ssyncadd.s32 $0xFFFF8000  }
0x9c: {  	[hbm4b:s13+s2] =	stream.linear.scatter [tilespmem:s7], [sflag:$0x3], $0x8000, $0x38;
	[tilespmem:$0x13400] =	vst v63  }
0x9d: {  	_ =	swait.ge [sflag:s3], $0x8000  }
0x9e: {  	[sflag:s3] =	ssyncset.done $0x0  }
0x9f: {  	[sflag:s3] =	ssyncadd.s32 $0xFFFF8000  }
0xa0: {  	[tilespmem:s7], [sflag:$0x2] =	stream.indirect.gather [hbm4b:s4+s5], $0x20, s14, s5, $0xb8;
	[tilespmem:$0x13400] =	vst v63  }
0xa1: {  	_ =	swait.ge [sflag:s8], $0x8000  }
0xa2: {  	[sflag:s8] =	ssyncset.done $0x0  }
0xa3: {  	[sflag:s8] =	ssyncadd.s32 $0xFFFF8000  }
0xa4: {  	[hbm4b:s15+s2] =	stream.linear.scatter [tilespmem:s6], [sflag:$0x3], $0x8000, $0x38;
	[tilespmem:$0x13400] =	vst v63  }
0xa5: {  	_ =	swait.ge [sflag:s3], $0x8000  }
0xa6: {  	[sflag:s3] =	ssyncset.done $0x0  }
0xa7: {  	[sflag:s3] =	ssyncadd.s32 $0xFFFF8000  }
0xa8: {  	[tilespmem:s6], [sflag:$0x1] =	stream.indirect.gather [hbm4b:s4+s5], $0x20, s16, s5, $0xb8;
	[tilespmem:$0x13400] =	vst v63  }
0xa9: {  	_ =	swait.ge [sflag:s10], $0x8000  }
0xaa: {  	[sflag:s10] =	ssyncset.done $0x0  }
0xab: {  	[sflag:s10] =	ssyncadd.s32 $0xFFFF8000  }
0xac: {  	[hbm4b:s17+s2] =	stream.linear.scatter [tilespmem:s7], [sflag:$0x3], $0x8000, $0x38;
	[tilespmem:$0x13400] =	vst v63  }
0xad: {  	_ =	swait.ge [sflag:s3], $0x8000  }
0xae: {  	[sflag:s3] =	ssyncset.done $0x0  }
0xaf: {  	[sflag:s3] =	ssyncadd.s32 $0xFFFF8000  }
0xb0: {  	[tilespmem:s7], [sflag:$0x2] =	stream.indirect.gather [hbm4b:s4+s5], $0x20, s18, s5, $0xb8;
	[tilespmem:$0x13400] =	vst v63  }
0xb1: {  	_ =	swait.ge [sflag:s8], $0x8000  }
0xb2: {  	[sflag:s8] =	ssyncset.done $0x0  }
0xb3: {  	[sflag:s8] =	ssyncadd.s32 $0xFFFF8000  }
0xb4: {  	[hbm4b:s19+s2] =	stream.linear.scatter [tilespmem:s6], [sflag:$0x3], $0x8000, $0x38;
	[tilespmem:$0x13400] =	vst v63  }
0xb5: {  	_ =	swait.ge [sflag:s3], $0x8000  }
0xb6: {  	[sflag:s3] =	ssyncset.done $0x0  }
0xb7: {  	[sflag:s3] =	ssyncadd.s32 $0xFFFF8000  }
0xb8: {  	[tilespmem:s6], [sflag:$0x1] =	stream.indirect.gather [hbm4b:s4+s5], $0x20, s20, s5, $0xb8;
	[tilespmem:$0x13400] =	vst v63  }
0xb9: {  	_ =	swait.ge [sflag:s10], $0x8000  }
0xba: {  	[sflag:s10] =	ssyncset.done $0x0  }
0xbb: {  	[sflag:s10] =	ssyncadd.s32 $0xFFFF8000  }
0xbc: {  	[hbm4b:s21+s2] =	stream.linear.scatter [tilespmem:s7], [sflag:$0x3], $0x8000, $0x38;
	[tilespmem:$0x13400] =	vst v63  }
0xbd: {  	_ =	swait.ge [sflag:s3], $0x8000  }
0xbe: {  	[sflag:s3] =	ssyncset.done $0x0  }
0xbf: {  	[sflag:s3] =	ssyncadd.s32 $0xFFFF8000  }
0xc0: {  	[tilespmem:s7], [sflag:$0x2] =	stream.indirect.gather [hbm4b:s4+s5], $0x20, s22, s5, $0xb8;
	[tilespmem:$0x13400] =	vst v63  }
0xc1: {  	_ =	swait.ge [sflag:s8], $0x8000  }
0xc2: {  	[sflag:s8] =	ssyncset.done $0x0  }
0xc3: {  	[sflag:s8] =	ssyncadd.s32 $0xFFFF8000  }
0xc4: {  	[hbm4b:s23+s2] =	stream.linear.scatter [tilespmem:s6], [sflag:$0x3], $0x8000, $0x38;
	[tilespmem:$0x13400] =	vst v63  }
0xc5: {  	_ =	swait.ge [sflag:s3], $0x8000  }
0xc6: {  	[sflag:s3] =	ssyncset.done $0x0  }
0xc7: {  	[sflag:s3] =	ssyncadd.s32 $0xFFFF8000  }
0xc8: {  	[tilespmem:s6], [sflag:$0x1] =	stream.indirect.gather [hbm4b:s4+s5], $0x20, s24, s5, $0xb8;
	[tilespmem:$0x13400] =	vst v63  }
0xc9: {  	_ =	swait.ge [sflag:s10], $0x8000  }
0xca: {  	[sflag:s10] =	ssyncset.done $0x0  }
0xcb: {  	[sflag:s10] =	ssyncadd.s32 $0xFFFF8000  }
0xcc: {  	[hbm4b:s25+s2] =	stream.linear.scatter [tilespmem:s7], [sflag:$0x3], $0x8000, $0x38;
	[tilespmem:$0x13400] =	vst v63  }
0xcd: {  	_ =	swait.ge [sflag:s3], $0x8000  }
0xce: {  	[sflag:s3] =	ssyncset.done $0x0  }
0xcf: {  	[sflag:s3] =	ssyncadd.s32 $0xFFFF8000  }
0xd0: {  	[tilespmem:s7], [sflag:$0x2] =	stream.indirect.gather [hbm4b:s4+s5], $0x20, s26, s5, $0xb8;
	[tilespmem:$0x13400] =	vst v63  }
0xd1: {  	_ =	swait.ge [sflag:s8], $0x8000  }
0xd2: {  	[sflag:s8] =	ssyncset.done $0x0  }
0xd3: {  	[sflag:s8] =	ssyncadd.s32 $0xFFFF8000  }
0xd4: {  	[hbm4b:s28+s2] =	stream.linear.scatter [tilespmem:s6], [sflag:$0x3], $0x8000, $0x38;
	[tilespmem:$0x13400] =	vst v63  }
0xd5: {  	_ =	swait.ge [sflag:s3], $0x8000  }
0xd6: {  	[sflag:s3] =	ssyncset.done $0x0  }
0xd7: {  	[sflag:s3] =	ssyncadd.s32 $0xFFFF8000  }
0xd8: {  	[tilespmem:s6], [sflag:$0x1] =	stream.indirect.gather [hbm4b:s4+s5], $0x20, s29, s5, $0xb8;
	[tilespmem:$0x13400] =	vst v63  }
0xd9: {  	_ =	swait.ge [sflag:s10], $0x8000  }
0xda: {  	[sflag:s10] =	ssyncset.done $0x0  }
0xdb: {  	[sflag:s10] =	ssyncadd.s32 $0xFFFF8000  }
0xdc: {  	[hbm4b:s30+s2] =	stream.linear.scatter [tilespmem:s7], [sflag:$0x3], $0x8000, $0x38;
	[tilespmem:$0x13400] =	vst v63  }
0xdd: {  	_ =	swait.ge [sflag:s3], $0x8000  }
0xde: {  	[sflag:s3] =	ssyncset.done $0x0  }
0xdf: {  	p0 =	sne.s32 s1, $0x1;
	[sflag:s3] =	ssyncadd.s32 $0xFFFF8000  }
.Ltmp1:
0xe0: {  	_ =	swait.ge [sflag:s8], $0x8000;
	(pc) =	sbr.rel @p0 .LBB2_1-.Ltmp1, $4  }
0xe1: {  	[sflag:s8] =	ssyncset.done $0x0  }
0xe2: {  	[sflag:s8] =	ssyncadd.s32 $0xFFFF8000  }
0xe3: {  	[hbm4b:s31+s2] =	stream.linear.scatter [tilespmem:s6], [sflag:$0x3], $0x8000, $0x38;
	[tilespmem:$0x13400] =	vst v63  }
0xe4: {  	s1 =	sadd.s32 $0xFFFFFFFF, s1;
	_ =	swait.ge [sflag:s3], $0x8000  }
.LBB2_2:
0xe5: {  	[sflag:s3] =	ssyncset.done $0x0  }
0xe6: {  	[sflag:s3] =	ssyncadd.s32 $0xFFFF8000  }
0xe7: {  	_ =	sfence.sel $0x180000  }
0xe8: {  	[bflag:$0x0] =	sbarrier.arrive $0xFFFF  }
0xe9: {  	_ =	strace $0x90000047  }
0xea: {  	s0 =	stileid.u32;
	[bflag:$0x2] =	sbarrier.arrive $0xFFFF  }
0xeb: {  	p0 =	sne.s32 s0, $0x0;
	s0 =	rddreg [dreg:$0x2]  }
0xec: {  	s0 =	sadd.s32 @!p0 $0x100000, s0  }
0xed: {  	[sflag:s0] =	ssyncadd.tile.s32 @!p0 $0x1;
	_ =	shalt  }
.Lfunc_end2:
_tile_overlayer_lowered:
.L_overlay_start_2:
0xee: {  	(tag) =	ssettag $0x2  }
0xef: {  	s0 =	rddreg [dreg:$0x0];
	s2 =	stileid.u32  }
0xf0: {  	s1 =	rddreg [dreg:$0x1];
	p0 =	sne.s32 s2, $0x0  }
0xf1: {  	s3 =	rddreg [dreg:$0x2];
	[bflag:$0x3] =	sbarrier.arrive $0xFFFF;
	s2 =	simm.s32 @!p0 $0x1C03  }
0xf2: {  	[timem:s3], [sflag:s2] =	dma.local @!p0 [hbm:s0], s1  }
0xf3: {  	s0 =	simm.s32 @!p0 $0x3  }
0xf4: {  	_ =	swait.ge @!p0 [sflag:s0], s1  }
0xf5: {  	s1 =	ssub.s32 @!p0 $0x0, s1;
	[sflag:s0] =	ssyncset.done @!p0 $0x0  }
0xf6: {  	[sflag:s0] =	ssyncadd.s32 @!p0 s1  }
0xf7: {  	[bflag:$0x3] =	sbarrier.arrive $0xFFFF  }
0xf8: {  	_ =	shalt  }

</sc_bundles>
